<compile_context>
chip_gen: v7x
topology: tpu7x:2x2x1
jax: 0.10.2.dev20260603
libtpu: 0.0.44.dev20260713+nightly
codegen_flags: <defaults>
</compile_context>

<pallas_src>
import jax
import jax.numpy as jnp
from jax.experimental import pallas as pl
from jax.experimental.pallas import tpu as pltpu
from jax.experimental.pallas import tpu_sc as plsc

E = 8
F_IN = 128
H1 = 64
H2 = 64
F_OUT = 16

B = 256
GW = 256

def _vector_mesh():
    return plsc.VectorSubcoreMesh(core_axis_name="c", subcore_axis_name="s")


def _celu(x):
    return jnp.where(x > 0, x, jnp.exp(jnp.minimum(x, 0.0)) - 1.0)


def _routing(el, n_pad):
    n = el.shape[0]
    eye = (el[:, None] == jnp.arange(E, dtype=el.dtype)[None, :]).astype(jnp.int32)
    counts = jnp.sum(eye, axis=0)
    ranks = jnp.cumsum(eye, axis=0) - eye
    rank = jnp.sum(ranks * eye, axis=1)
    nblk_e = (counts + B - 1) // B
    pstart = (jnp.cumsum(nblk_e) - nblk_e) * B
    dest = jnp.sum(eye * pstart[None, :], axis=1) + rank
    sidx = jnp.full((n_pad,), n, jnp.int32).at[dest].set(jnp.arange(n, dtype=jnp.int32))
    gather_idx = jnp.minimum(sidx, n - 1)
    blk_start = jnp.arange(n_pad // B, dtype=jnp.int32) * B
    block_eid = jnp.sum((blk_start[:, None] >= pstart[None, 1:]).astype(jnp.int32), axis=1)
    return gather_idx, sidx, block_eid


def _sc_gather(x, idx, n_pad):
    @pl.kernel(out_type=jax.ShapeDtypeStruct((n_pad, F_IN), x.dtype),
               mesh=_vector_mesh(), scratch_types=[])
    def gk(x_hbm, i_hbm, o_hbm):
        def body(i_vmem, o_vmem):
            pltpu.sync_copy(x_hbm.at[i_vmem.at[0]], o_vmem)

        pltpu.emit_pipeline(
            body,
            grid=(n_pad // GW,),
            in_specs=[pl.BlockSpec((1, GW), lambda i: (0, i))],
            out_specs=[pl.BlockSpec((GW, F_IN), lambda i: (i, 0))],
            core_axis_name=("c", "s"),
            dimension_semantics=(pltpu.PARALLEL,),
        )(i_hbm, o_hbm)

    return gk(x, idx.reshape(1, n_pad))


def _sc_scatter(rows, idx, n_out, n_pad):
    @pl.kernel(out_type=jax.ShapeDtypeStruct((n_out, F_IN), rows.dtype),
               mesh=_vector_mesh(), scratch_types=[])
    def sk(r_hbm, i_hbm, o_hbm):
        def body(r_vmem, i_vmem):
            pltpu.sync_copy(r_vmem, o_hbm.at[i_vmem.at[0]])

        pltpu.emit_pipeline(
            body,
            grid=(n_pad // GW,),
            in_specs=[pl.BlockSpec((GW, F_IN), lambda i: (i, 0)),
                      pl.BlockSpec((1, GW), lambda i: (0, i))],
            out_specs=[],
            core_axis_name=("c", "s"),
            dimension_semantics=(pltpu.PARALLEL,),
        )(r_hbm, i_hbm)

    return sk(rows, idx.reshape(1, n_pad))


def _mlp_block_kernel(eid_ref, x_ref, w1_ref, b1_ref, w2_ref, b2_ref, w3_ref, b3_ref, o_ref):
    xb = x_ref[...].astype(jnp.bfloat16)
    z = jax.lax.dot_general(xb, w1_ref[0].astype(jnp.bfloat16),
                            (((1,), (1,)), ((), ())), preferred_element_type=jnp.float32)
    h = _celu(z + b1_ref[0]).astype(jnp.bfloat16)
    z = jax.lax.dot_general(h, w2_ref[0].astype(jnp.bfloat16),
                            (((1,), (1,)), ((), ())), preferred_element_type=jnp.float32)
    h = _celu(z + b2_ref[0]).astype(jnp.bfloat16)
    z = jax.lax.dot_general(h, w3_ref[0].astype(jnp.bfloat16),
                            (((1,), (1,)), ((), ())), preferred_element_type=jnp.float32)
    o_ref[:, :F_OUT] = z + b3_ref[0]
    o_ref[:, F_OUT:] = jnp.zeros((z.shape[0], F_IN - F_OUT), jnp.float32)


def _tc_mlp(xg, block_eid, W1, b1, W2, b2, W3, b3, n_pad):
    nblk = n_pad // B
    grid_spec = pltpu.PrefetchScalarGridSpec(
        num_scalar_prefetch=1,
        grid=(nblk,),
        in_specs=[
            pl.BlockSpec((B, F_IN), lambda i, eid: (i, 0)),
            pl.BlockSpec((1, H1, F_IN), lambda i, eid: (eid[i], 0, 0)),
            pl.BlockSpec((1, 1, H1), lambda i, eid: (eid[i], 0, 0)),
            pl.BlockSpec((1, H2, H1), lambda i, eid: (eid[i], 0, 0)),
            pl.BlockSpec((1, 1, H2), lambda i, eid: (eid[i], 0, 0)),
            pl.BlockSpec((1, F_OUT, H2), lambda i, eid: (eid[i], 0, 0)),
            pl.BlockSpec((1, 1, F_OUT), lambda i, eid: (eid[i], 0, 0)),
        ],
        out_specs=pl.BlockSpec((B, F_IN), lambda i, eid: (i, 0)),
    )
    return pl.pallas_call(
        _mlp_block_kernel,
        grid_spec=grid_spec,
        out_shape=jax.ShapeDtypeStruct((n_pad, F_IN), jnp.float32),
    )(block_eid, xg, W1, b1.reshape(E, 1, H1), W2, b2.reshape(E, 1, H2),
      W3, b3.reshape(E, 1, F_OUT))


def kernel(elements, features, W1, b1, W2, b2, W3, b3):
    n, M, f = features.shape
    N = n * M
    n_pad = N + E * B
    el = elements.reshape(N)
    x = features.reshape(N, f)

    gather_idx, scatter_idx, block_eid = _routing(el, n_pad)
    xg = _sc_gather(x, gather_idx, n_pad)
    og = _tc_mlp(xg, block_eid, W1, b1, W2, b2, W3, b3, n_pad)
    y_ext = _sc_scatter(og, scatter_idx, N + E, n_pad)
    return (elements, y_ext[:N, :F_OUT].reshape(n, M, F_OUT))

# --- scband reference (transcript-rebuilt; emitter-appended) ---
"""Pipeline reference for scband-torch-element-specific-a2-mdnn-72378788872232 (READ-ONLY COPY).

The authoritative reference and input builder live on the scoring server;
editing this copy changes nothing except your own understanding.
"""

import jax, jax.numpy as jnp
import numpy as np

E = 8
NODES = [128, 64, 64, 16]


def _init_linear(k, fan_out, fan_in):
    bound = 1.0 / np.sqrt(fan_in)
    kw, kb = jax.random.split(k)
    W = jax.random.uniform(kw, (E, fan_out, fan_in), minval=-bound, maxval=bound, dtype=jnp.float32)
    b = jax.random.uniform(kb, (E, fan_out), minval=-bound, maxval=bound, dtype=jnp.float32)
    return W, b


def setup_inputs(seed: int = 0) -> dict:
    key = jax.random.key(seed)
    ks = jax.random.split(key, 5)
    elements = jax.random.randint(ks[0], (4, 8192), 0, E, dtype=jnp.int32)
    features = jax.random.normal(ks[1], (4, 8192, 128), dtype=jnp.float32)
    W1, b1 = _init_linear(ks[2], NODES[1], NODES[0])
    W2, b2 = _init_linear(ks[3], NODES[2], NODES[1])
    W3, b3 = _init_linear(ks[4], NODES[3], NODES[2])
    return {"elements": elements, "features": features, "W1": W1, "b1": b1, "W2": W2, "b2": b2, "W3": W3, "b3": b3}


def reference(elements, features, W1, b1, W2, b2, W3, b3):
    n, M, f = features.shape
    el = elements.reshape(-1)
    x = features.reshape(-1, f)
    out_dim = W3.shape[1]
    y = jnp.zeros((x.shape[0], out_dim), dtype=jnp.float32)
    for e in range(E):
        h = jax.nn.celu(x @ W1[e].T + b1[e])
        h = jax.nn.celu(h @ W2[e].T + b2[e])
        o = h @ W3[e].T + b3[e]
        y = jnp.where((el == e)[:, None], o, y)
    y = y.reshape(n, M, out_dim)
    return (elements, y)

if __name__ == "__main__":
    import jax
    _d = setup_inputs()
    print(jax.jit(kernel)(*tuple(_d.values())))

</pallas_src>

<mosaic_0001>
#map = affine_map<(d0, d1) -> (0, 0)>
module attributes {stable_mosaic.version = 14 : i64} {
  func.func @gk(%arg0: i32, %arg1: i32, %arg2: memref<32768x128xf32, #tpu.memory_space<hbm>>, %arg3: memref<1x34816xi32, #tpu.memory_space<hbm>>, %arg4: memref<34816x128xf32, #tpu.memory_space<hbm>>) attributes {dimension_semantics = [#tpu.dimension_semantics<core_parallel>, #tpu.dimension_semantics<subcore_parallel>], iteration_bounds = array<i64: 2, 16>, scalar_prefetch = 0 : i64, scratch_operands = 0 : i64, tpu.core_type = #tpu.core_type<sc_vector_subcore>, window_params = [{transform_indices = #map}, {transform_indices = #map}, {transform_indices = #map}]} {
    %mul3A = arith.constant 1 : i32
    %mul3A_0 = arith.muli %arg1, %mul3A : i32
    %add3A = arith.constant 0 : i32
    %add3A_1 = arith.addi %add3A, %mul3A_0 : i32
    %mul3A_2 = arith.constant 16 : i32
    %mul3A_3 = arith.muli %arg0, %mul3A_2 : i32
    %add3A_4 = arith.addi %add3A_1, %mul3A_3 : i32
    %lt3A = arith.constant 8 : i32
    %lt3A_5 = arith.cmpi slt, %add3A_4, %lt3A : i32
    %jit3A = arith.constant 5 : i32
    %jit3A_6 = arith.constant 4 : i32
    %select_n3A = arith.select %lt3A_5, %jit3A, %jit3A_6 : i32
    %lt3A_7 = arith.constant 8 : i32
    %lt3A_8 = arith.cmpi slt, %add3A_4, %lt3A_7 : i32
    %mul3A_9 = arith.muli %add3A_4, %select_n3A : i32
    %mul3A_10 = arith.constant 4 : i32
    %mul3A_11 = arith.muli %add3A_4, %mul3A_10 : i32
    %add3A_12 = arith.constant 8 : i32
    %add3A_13 = arith.addi %mul3A_11, %add3A_12 : i32
    %select_n3A_14 = arith.select %lt3A_8, %mul3A_9, %add3A_13 : i32
    %mul3A_15 = arith.constant 1 : i32
    %mul3A_16 = arith.muli %mul3A_15, %select_n3A : i32
    "tpu.region"() ({
      %run_scoped3A = memref.alloca() : memref<2x1x256xi32, #tpu.memory_space<vmem>>
      %run_scoped3A_17 = tpu.sem_alloc : memref<2x!tpu.dma_semaphore, #tpu.memory_space<semaphore_mem>>
      %run_scoped3A_18 = memref.alloca() : memref<2x256x128xf32, #tpu.memory_space<vmem>>
      %run_scoped3A_19 = tpu.sem_alloc : memref<2x!tpu.dma_semaphore, #tpu.memory_space<semaphore_mem>>
      %gt3A = arith.constant 0 : i32
      %gt3A_20 = arith.cmpi sgt, %mul3A_16, %gt3A : i32
      %convert_element_type3A = arith.extui %gt3A_20 : i1 to i32
      %cond3A = arith.constant 0 : i32
      %cond3A_21 = arith.cmpi ne, %convert_element_type3A, %cond3A : i32
      scf.if %cond3A_21 {
        %mul3A_22 = arith.constant 1 : i32
        %mul3A_23 = arith.muli %mul3A_22, %select_n3A : i32
        %sub3A = arith.constant 1 : i32
        %sub3A_24 = arith.subi %mul3A_23, %sub3A : i32
        %eq3A = arith.constant 0 : i32
        %eq3A_25 = arith.cmpi eq, %sub3A_24, %eq3A : i32
        %add3A_26 = arith.constant 0 : i32
        %add3A_27 = arith.addi %add3A_26, %select_n3A_14 : i32
        %select_n3A_28 = arith.constant true
        %select_n3A_29 = arith.constant 0 : i32
        %select_n3A_30 = arith.constant -1 : i32
        %select_n3A_31 = arith.select %select_n3A_28, %select_n3A_30, %select_n3A_29 : i32
        %eq3A_32 = arith.constant -1 : i32
        %eq3A_33 = arith.cmpi eq, %select_n3A_31, %eq3A_32 : i32
        %sub3A_34 = arith.constant 1 : i32
        %sub3A_35 = arith.subi %select_n3A, %sub3A_34 : i32
        %select_n3A_36 = arith.select %eq3A_33, %sub3A_35, %select_n3A_31 : i32
        %add3A_37 = arith.addi %select_n3A_36, %select_n3A_14 : i32
        %select_n3A_38 = arith.constant true
        %select_n3A_39 = arith.constant 0 : i32
        %select_n3A_40 = arith.constant 1 : i32
        %select_n3A_41 = arith.select %select_n3A_38, %select_n3A_40, %select_n3A_39 : i32
        %eq3A_42 = arith.cmpi eq, %select_n3A_41, %select_n3A : i32
        %select_n3A_43 = arith.constant 0 : i32
        %select_n3A_44 = arith.select %eq3A_42, %select_n3A_43, %select_n3A_41 : i32
        %add3A_45 = arith.addi %select_n3A_44, %select_n3A_14 : i32
        %add3A_46 = arith.constant 1 : i32
        %add3A_47 = arith.addi %select_n3A_44, %add3A_46 : i32
        %select_n3A_48 = arith.constant true
        %select_n3A_49 = arith.select %select_n3A_48, %add3A_47, %select_n3A_44 : i32
        %eq3A_50 = arith.cmpi eq, %select_n3A_49, %select_n3A : i32
        %select_n3A_51 = arith.constant 0 : i32
        %select_n3A_52 = arith.select %eq3A_50, %select_n3A_51, %select_n3A_49 : i32
        %add3A_53 = arith.addi %select_n3A_52, %select_n3A_14 : i32
        "tpu.trace_start"() <{level = 10 : i32, message = "ep_initialize_0"}> : () -> ()
        %rem3A = arith.constant 0 : i32
        %rem3A_54 = arith.constant 2 : i32
        %rem3A_55 = arith.remui %rem3A, %rem3A_54 : i32
        %mul3A_56 = arith.constant 256 : i32
        %mul3A_57 = arith.muli %mul3A_56, %add3A_27 : i32
        %dma_start3A = arith.constant 0 : i32
        %dma_start3A_58 = arith.constant 0 : i32
        %dma_start3A_59 = tpu.memref_slice %run_scoped3A[%rem3A_55, %dma_start3A, %dma_start3A_58] : memref<2x1x256xi32, #tpu.memory_space<vmem>> -> memref<1x1x256xi32, #tpu.memory_space<vmem>>
        %dma_start3A_60 = tpu.memref_squeeze %dma_start3A_59 : memref<1x1x256xi32, #tpu.memory_space<vmem>> -> memref<1x256xi32, #tpu.memory_space<vmem>>
        %dma_start3A_61 = arith.constant 0 : i32
        %dma_start3A_62 = tpu.memref_slice %arg3[%dma_start3A_61, %mul3A_57] : memref<1x34816xi32, #tpu.memory_space<hbm>> -> memref<1x256xi32, #tpu.memory_space<hbm>>
        %dma_start3A_63 = tpu.memref_slice %run_scoped3A_17[%rem3A_55] : memref<2x!tpu.dma_semaphore, #tpu.memory_space<semaphore_mem>> -> memref<1x!tpu.dma_semaphore, #tpu.memory_space<semaphore_mem>>
        %dma_start3A_64 = tpu.memref_squeeze %dma_start3A_63 : memref<1x!tpu.dma_semaphore, #tpu.memory_space<semaphore_mem>> -> memref<!tpu.dma_semaphore, #tpu.memory_space<semaphore_mem>>
        %dma_start3A_65 = arith.constant 0 : i32
        %dma_start3A_66 = arith.constant 0 : i32
        %dma_start3A_67 = tpu.memref_slice %run_scoped3A[%rem3A_55, %dma_start3A_65, %dma_start3A_66] : memref<2x1x256xi32, #tpu.memory_space<vmem>> -> memref<1x1x256xi32, #tpu.memory_space<vmem>>
        %dma_start3A_68 = tpu.memref_squeeze %dma_start3A_67 : memref<1x1x256xi32, #tpu.memory_space<vmem>> -> memref<1x256xi32, #tpu.memory_space<vmem>>
        %dma_start3A_69 = arith.constant 0 : i32
        %dma_start3A_70 = tpu.memref_slice %arg3[%dma_start3A_69, %mul3A_57] : memref<1x34816xi32, #tpu.memory_space<hbm>> -> memref<1x256xi32, #tpu.memory_space<hbm>>
        tpu.enqueue_dma source(%dma_start3A_70 : memref<1x256xi32, #tpu.memory_space<hbm>>) target(%dma_start3A_68 : memref<1x256xi32, #tpu.memory_space<vmem>>) target_semaphore(%dma_start3A_64 : memref<!tpu.dma_semaphore, #tpu.memory_space<semaphore_mem>>)
        %add3A_71 = arith.constant 0 : i32
        %add3A_72 = arith.constant 1 : i32
        %add3A_73 = arith.addi %add3A_71, %add3A_72 : i32
        %select_n3A_74 = arith.constant true
        %select_n3A_75 = arith.constant 0 : i32
        %select_n3A_76 = arith.select %select_n3A_74, %add3A_73, %select_n3A_75 : i32
        %while3A = arith.constant 0 : i32
        %while3A_77 = arith.constant 0 : i32
        %while3A_78 = arith.constant 0 : i32
        %while3A_79 = arith.constant 0 : i32
        %while3A_80 = arith.constant 0 : i32
        "tpu.trace_stop"() : () -> ()
        %while3A_81 = arith.subi %mul3A_16, %while3A : i32
        %while3A_82 = arith.addi %while3A, %while3A_81 : i32
        %while3A_83 = arith.constant 1 : i32
        %while3A_84 = arith.divsi %while3A_81, %while3A_83 : i32
        %while3A_85 = arith.muli %while3A_84, %while3A_83 : i32
        %while3A_86 = arith.addi %while3A, %while3A_85 : i32
        %while3A_87 = arith.constant 1 : i32
        %while3A_88:5 = scf.for %while3A_142 = %while3A to %while3A_86 step %while3A_87 iter_args(%while3A_143 = %select_n3A_76, %while3A_144 = %while3A_77, %while3A_145 = %while3A_78, %while3A_146 = %while3A_79, %while3A_147 = %while3A_80) -> (i32, i32, i32, i32, i32)  : i32 {
          %mul3A_148 = arith.constant 1 : i32
          %mul3A_149 = arith.muli %mul3A_148, %select_n3A : i32
          %eq3A_150 = arith.constant 0 : i32
          %eq3A_151 = arith.cmpi eq, %while3A_142, %eq3A_150 : i32
          %sub3A_152 = arith.constant 1 : i32
          %sub3A_153 = arith.subi %mul3A_149, %sub3A_152 : i32
          %eq3A_154 = arith.cmpi eq, %while3A_142, %sub3A_153 : i32
          %add3A_155 = arith.addi %while3A_147, %select_n3A_14 : i32
          %sub3A_156 = arith.constant 1 : i32
          %sub3A_157 = arith.subi %while3A_147, %sub3A_156 : i32
          %select_n3A_158 = arith.constant true
          %select_n3A_159 = arith.select %select_n3A_158, %sub3A_157, %while3A_147 : i32
          %eq3A_160 = arith.constant -1 : i32
          %eq3A_161 = arith.cmpi eq, %select_n3A_159, %eq3A_160 : i32
          %sub3A_162 = arith.constant 1 : i32
          %sub3A_163 = arith.subi %select_n3A, %sub3A_162 : i32
          %select_n3A_164 = arith.select %eq3A_161, %sub3A_163, %select_n3A_159 : i32
          %add3A_165 = arith.addi %select_n3A_164, %select_n3A_14 : i32
          %add3A_166 = arith.constant 1 : i32
          %add3A_167 = arith.addi %while3A_147, %add3A_166 : i32
          %select_n3A_168 = arith.constant true
          %select_n3A_169 = arith.select %select_n3A_168, %add3A_167, %while3A_147 : i32
          %eq3A_170 = arith.cmpi eq, %select_n3A_169, %select_n3A : i32
          %select_n3A_171 = arith.constant 0 : i32
          %select_n3A_172 = arith.select %eq3A_170, %select_n3A_171, %select_n3A_169 : i32
          %add3A_173 = arith.addi %select_n3A_172, %select_n3A_14 : i32
          %add3A_174 = arith.constant 1 : i32
          %add3A_175 = arith.addi %select_n3A_172, %add3A_174 : i32
          %select_n3A_176 = arith.constant true
          %select_n3A_177 = arith.select %select_n3A_176, %add3A_175, %select_n3A_172 : i32
          %eq3A_178 = arith.cmpi eq, %select_n3A_177, %select_n3A : i32
          %select_n3A_179 = arith.constant 0 : i32
          %select_n3A_180 = arith.select %eq3A_178, %select_n3A_179, %select_n3A_177 : i32
          %add3A_181 = arith.addi %select_n3A_180, %select_n3A_14 : i32
          %ne3A = arith.cmpi ne, %add3A_155, %add3A_173 : i32
          %or3A = arith.constant false
          %or3A_182 = arith.ori %or3A, %ne3A : i1
          %sub3A_183 = arith.constant 2 : i32
          %sub3A_184 = arith.subi %mul3A_149, %sub3A_183 : i32
          %add3A_185 = arith.constant 1 : i32
          %add3A_186 = arith.addi %sub3A_184, %add3A_185 : i32
          %ge3A = arith.cmpi sge, %while3A_142, %add3A_186 : i32
          %not3A = arith.constant true
          %not3A_187 = arith.xori %ge3A, %not3A : i1
          %and3A = arith.andi %or3A_182, %not3A_187 : i1
          %convert_element_type3A_188 = arith.extui %and3A : i1 to i32
          %cond3A_189 = arith.constant 0 : i32
          %cond3A_190 = arith.cmpi ne, %convert_element_type3A_188, %cond3A_189 : i32
          scf.if %cond3A_190 {
            "tpu.trace_start"() <{level = 10 : i32, message = "ep_copy_in"}> : () -> ()
            %rem3A_294 = arith.constant 2 : i32
            %rem3A_295 = arith.remui %while3A_143, %rem3A_294 : i32
            %mul3A_296 = arith.constant 256 : i32
            %mul3A_297 = arith.muli %mul3A_296, %add3A_173 : i32
            %dma_start3A_298 = arith.constant 0 : i32
            %dma_start3A_299 = arith.constant 0 : i32
            %dma_start3A_300 = tpu.memref_slice %run_scoped3A[%rem3A_295, %dma_start3A_298, %dma_start3A_299] : memref<2x1x256xi32, #tpu.memory_space<vmem>> -> memref<1x1x256xi32, #tpu.memory_space<vmem>>
            %dma_start3A_301 = tpu.memref_squeeze %dma_start3A_300 : memref<1x1x256xi32, #tpu.memory_space<vmem>> -> memref<1x256xi32, #tpu.memory_space<vmem>>
            %dma_start3A_302 = arith.constant 0 : i32
            %dma_start3A_303 = tpu.memref_slice %arg3[%dma_start3A_302, %mul3A_297] : memref<1x34816xi32, #tpu.memory_space<hbm>> -> memref<1x256xi32, #tpu.memory_space<hbm>>
            %dma_start3A_304 = tpu.memref_slice %run_scoped3A_17[%rem3A_295] : memref<2x!tpu.dma_semaphore, #tpu.memory_space<semaphore_mem>> -> memref<1x!tpu.dma_semaphore, #tpu.memory_space<semaphore_mem>>
            %dma_start3A_305 = tpu.memref_squeeze %dma_start3A_304 : memref<1x!tpu.dma_semaphore, #tpu.memory_space<semaphore_mem>> -> memref<!tpu.dma_semaphore, #tpu.memory_space<semaphore_mem>>
            %dma_start3A_306 = arith.constant 0 : i32
            %dma_start3A_307 = arith.constant 0 : i32
            %dma_start3A_308 = tpu.memref_slice %run_scoped3A[%rem3A_295, %dma_start3A_306, %dma_start3A_307] : memref<2x1x256xi32, #tpu.memory_space<vmem>> -> memref<1x1x256xi32, #tpu.memory_space<vmem>>
            %dma_start3A_309 = tpu.memref_squeeze %dma_start3A_308 : memref<1x1x256xi32, #tpu.memory_space<vmem>> -> memref<1x256xi32, #tpu.memory_space<vmem>>
            %dma_start3A_310 = arith.constant 0 : i32
            %dma_start3A_311 = tpu.memref_slice %arg3[%dma_start3A_310, %mul3A_297] : memref<1x34816xi32, #tpu.memory_space<hbm>> -> memref<1x256xi32, #tpu.memory_space<hbm>>
            tpu.enqueue_dma source(%dma_start3A_311 : memref<1x256xi32, #tpu.memory_space<hbm>>) target(%dma_start3A_309 : memref<1x256xi32, #tpu.memory_space<vmem>>) target_semaphore(%dma_start3A_305 : memref<!tpu.dma_semaphore, #tpu.memory_space<semaphore_mem>>)
            "tpu.trace_stop"() : () -> ()
          } else {
          }
          %and3A_191 = arith.constant true
          %and3A_192 = arith.andi %and3A, %and3A_191 : i1
          %add3A_193 = arith.constant 1 : i32
          %add3A_194 = arith.addi %while3A_143, %add3A_193 : i32
          %select_n3A_195 = arith.select %and3A_192, %add3A_194, %while3A_143 : i32
          %ne3A_196 = arith.cmpi ne, %add3A_155, %add3A_173 : i32
          %or3A_197 = arith.constant false
          %or3A_198 = arith.ori %or3A_197, %ne3A_196 : i1
          %or3A_199 = arith.constant false
          %or3A_200 = arith.ori %or3A_198, %or3A_199 : i1
          %sub3A_201 = arith.constant 2 : i32
          %sub3A_202 = arith.subi %mul3A_149, %sub3A_201 : i32
          %add3A_203 = arith.constant 1 : i32
          %add3A_204 = arith.addi %sub3A_202, %add3A_203 : i32
          %ge3A_205 = arith.cmpi sge, %while3A_142, %add3A_204 : i32
          %not3A_206 = arith.constant true
          %not3A_207 = arith.xori %ge3A_205, %not3A_206 : i1
          %and3A_208 = arith.andi %or3A_200, %not3A_207 : i1
          %ne3A_209 = arith.cmpi ne, %add3A_155, %add3A_165 : i32
          %or3A_210 = arith.constant false
          %or3A_211 = arith.ori %or3A_210, %ne3A_209 : i1
          %or3A_212 = arith.ori %or3A_211, %eq3A_151 : i1
          %convert_element_type3A_213 = arith.extui %or3A_212 : i1 to i32
          %cond3A_214 = arith.constant 0 : i32
          %cond3A_215 = arith.cmpi ne, %convert_element_type3A_213, %cond3A_214 : i32
          scf.if %cond3A_215 {
            "tpu.trace_start"() <{level = 10 : i32, message = "ep_wait_in"}> : () -> ()
            %mul3A_294 = arith.constant 256 : i32
            %mul3A_295 = arith.muli %mul3A_294, %add3A_155 : i32
            %rem3A_296 = arith.constant 2 : i32
            %rem3A_297 = arith.remui %while3A_144, %rem3A_296 : i32
            %dma_wait3A = arith.constant 0 : i32
            %dma_wait3A_298 = arith.constant 0 : i32
            %dma_wait3A_299 = tpu.memref_slice %run_scoped3A[%rem3A_297, %dma_wait3A, %dma_wait3A_298] : memref<2x1x256xi32, #tpu.memory_space<vmem>> -> memref<1x1x256xi32, #tpu.memory_space<vmem>>
            %dma_wait3A_300 = tpu.memref_squeeze %dma_wait3A_299 : memref<1x1x256xi32, #tpu.memory_space<vmem>> -> memref<1x256xi32, #tpu.memory_space<vmem>>
            %dma_wait3A_301 = arith.constant 0 : i32
            %dma_wait3A_302 = tpu.memref_slice %arg3[%dma_wait3A_301, %mul3A_295] : memref<1x34816xi32, #tpu.memory_space<hbm>> -> memref<1x256xi32, #tpu.memory_space<hbm>>
            %dma_wait3A_303 = tpu.memref_slice %run_scoped3A_17[%rem3A_297] : memref<2x!tpu.dma_semaphore, #tpu.memory_space<semaphore_mem>> -> memref<1x!tpu.dma_semaphore, #tpu.memory_space<semaphore_mem>>
            %dma_wait3A_304 = tpu.memref_squeeze %dma_wait3A_303 : memref<1x!tpu.dma_semaphore, #tpu.memory_space<semaphore_mem>> -> memref<!tpu.dma_semaphore, #tpu.memory_space<semaphore_mem>>
            %dma_wait3A_305 = arith.constant 0 : i32
            %dma_wait3A_306 = arith.constant 0 : i32
            %dma_wait3A_307 = tpu.memref_slice %run_scoped3A[%rem3A_297, %dma_wait3A_305, %dma_wait3A_306] : memref<2x1x256xi32, #tpu.memory_space<vmem>> -> memref<1x1x256xi32, #tpu.memory_space<vmem>>
            %dma_wait3A_308 = tpu.memref_squeeze %dma_wait3A_307 : memref<1x1x256xi32, #tpu.memory_space<vmem>> -> memref<1x256xi32, #tpu.memory_space<vmem>>
            %dma_wait3A_309 = arith.constant 0 : i32
            %dma_wait3A_310 = tpu.memref_slice %arg3[%dma_wait3A_309, %mul3A_295] : memref<1x34816xi32, #tpu.memory_space<hbm>> -> memref<1x256xi32, #tpu.memory_space<hbm>>
            tpu.wait_dma2 semaphore(%dma_wait3A_304 : memref<!tpu.dma_semaphore, #tpu.memory_space<semaphore_mem>>) src(%dma_wait3A_310 : memref<1x256xi32, #tpu.memory_space<hbm>>) dst(%dma_wait3A_308 : memref<1x256xi32, #tpu.memory_space<vmem>>)
            "tpu.trace_stop"() : () -> ()
          } else {
          }
          %ne3A_216 = arith.cmpi ne, %add3A_155, %add3A_165 : i32
          %or3A_217 = arith.constant false
          %or3A_218 = arith.ori %or3A_217, %ne3A_216 : i1
          %or3A_219 = arith.constant false
          %or3A_220 = arith.ori %or3A_218, %or3A_219 : i1
          %or3A_221 = arith.ori %or3A_220, %eq3A_151 : i1
          %convert_element_type3A_222 = arith.extui %or3A_221 : i1 to i32
          %cond3A_223 = arith.constant 0 : i32
          %cond3A_224 = arith.cmpi ne, %convert_element_type3A_222, %cond3A_223 : i32
          scf.if %cond3A_224 {
          } else {
          }
          %rem3A_225 = arith.constant 2 : i32
          %rem3A_226 = arith.remui %while3A_144, %rem3A_225 : i32
          %rem3A_227 = arith.constant 2 : i32
          %rem3A_228 = arith.remui %while3A_145, %rem3A_227 : i32
          %run_scoped3A_229 = arith.constant 0 : i32
          "tpu.trace_start"() <{level = 10 : i32, message = "ep_run_kernel"}> : () -> ()
          "tpu.region"() ({
            %run_scoped3A_294 = tpu.sem_alloc : memref<!tpu.dma_semaphore, #tpu.memory_space<semaphore_mem>>
            %dma_start3A_295 = arith.constant 0 : i32
            %dma_start3A_296 = arith.constant 0 : i32
            %dma_start3A_297 = tpu.memref_slice %run_scoped3A_18[%rem3A_228, %dma_start3A_295, %dma_start3A_296] : memref<2x256x128xf32, #tpu.memory_space<vmem>> -> memref<1x256x128xf32, #tpu.memory_space<vmem>>
            %dma_start3A_298 = tpu.memref_squeeze %dma_start3A_297 : memref<1x256x128xf32, #tpu.memory_space<vmem>> -> memref<256x128xf32, #tpu.memory_space<vmem>>
            %dma_start3A_299 = arith.constant 0 : i32
            %dma_start3A_300 = arith.constant 0 : i32
            %dma_start3A_301 = tpu.memref_slice %run_scoped3A[%rem3A_226, %dma_start3A_299, %dma_start3A_300] : memref<2x1x256xi32, #tpu.memory_space<vmem>> -> memref<1x1x256xi32, #tpu.memory_space<vmem>>
            %dma_start3A_302 = tpu.memref_squeeze %dma_start3A_301 : memref<1x1x256xi32, #tpu.memory_space<vmem>> -> memref<1x256xi32, #tpu.memory_space<vmem>>
            %dma_start3A_303 = arith.constant 0 : i32
            %dma_start3A_304 = tpu.memref_slice %dma_start3A_302[%run_scoped3A_229, %dma_start3A_303] : memref<1x256xi32, #tpu.memory_space<vmem>> -> memref<1x256xi32, #tpu.memory_space<vmem>>
            %dma_start3A_305 = tpu.memref_squeeze %dma_start3A_304 : memref<1x256xi32, #tpu.memory_space<vmem>> -> memref<256xi32, #tpu.memory_space<vmem>>
            %dma_start3A_306 = arith.constant 0 : i32
            %dma_start3A_307 = arith.constant 0 : i32
            %dma_start3A_308 = tpu.memref_slice %arg2[%dma_start3A_306, %dma_start3A_307] : memref<32768x128xf32, #tpu.memory_space<hbm>> -> memref<32768x128xf32, #tpu.memory_space<hbm>>
            tpu.enqueue_indirect_dma source(%dma_start3A_308 : memref<32768x128xf32, #tpu.memory_space<hbm>>) target(%dma_start3A_298 : memref<256x128xf32, #tpu.memory_space<vmem>>) offsets(%dma_start3A_305 : memref<256xi32, #tpu.memory_space<vmem>>) semaphore(%run_scoped3A_294 : memref<!tpu.dma_semaphore, #tpu.memory_space<semaphore_mem>>)
            %dma_wait3A = arith.constant 0 : i32
            %dma_wait3A_309 = arith.constant 0 : i32
            %dma_wait3A_310 = tpu.memref_slice %run_scoped3A_18[%rem3A_228, %dma_wait3A, %dma_wait3A_309] : memref<2x256x128xf32, #tpu.memory_space<vmem>> -> memref<1x256x128xf32, #tpu.memory_space<vmem>>
            %dma_wait3A_311 = tpu.memref_squeeze %dma_wait3A_310 : memref<1x256x128xf32, #tpu.memory_space<vmem>> -> memref<256x128xf32, #tpu.memory_space<vmem>>
            %dma_wait3A_312 = arith.constant 0 : i32
            %dma_wait3A_313 = arith.constant 0 : i32
            %dma_wait3A_314 = tpu.memref_slice %run_scoped3A[%rem3A_226, %dma_wait3A_312, %dma_wait3A_313] : memref<2x1x256xi32, #tpu.memory_space<vmem>> -> memref<1x1x256xi32, #tpu.memory_space<vmem>>
            %dma_wait3A_315 = tpu.memref_squeeze %dma_wait3A_314 : memref<1x1x256xi32, #tpu.memory_space<vmem>> -> memref<1x256xi32, #tpu.memory_space<vmem>>
            %dma_wait3A_316 = arith.constant 0 : i32
            %dma_wait3A_317 = tpu.memref_slice %dma_wait3A_315[%run_scoped3A_229, %dma_wait3A_316] : memref<1x256xi32, #tpu.memory_space<vmem>> -> memref<1x256xi32, #tpu.memory_space<vmem>>
            %dma_wait3A_318 = tpu.memref_squeeze %dma_wait3A_317 : memref<1x256xi32, #tpu.memory_space<vmem>> -> memref<256xi32, #tpu.memory_space<vmem>>
            %dma_wait3A_319 = arith.constant 0 : i32
            %dma_wait3A_320 = arith.constant 0 : i32
            %dma_wait3A_321 = tpu.memref_slice %arg2[%dma_wait3A_319, %dma_wait3A_320] : memref<32768x128xf32, #tpu.memory_space<hbm>> -> memref<32768x128xf32, #tpu.memory_space<hbm>>
            tpu.wait_indirect_dma semaphore(%run_scoped3A_294 : memref<!tpu.dma_semaphore, #tpu.memory_space<semaphore_mem>>) src(%dma_wait3A_321 : memref<32768x128xf32, #tpu.memory_space<hbm>>) dst(%dma_wait3A_311 : memref<256x128xf32, #tpu.memory_space<vmem>>)
            tpu.yield
          }) : () -> ()
          "tpu.trace_stop"() : () -> ()
          %ne3A_230 = arith.cmpi ne, %add3A_155, %add3A_173 : i32
          %or3A_231 = arith.constant false
          %or3A_232 = arith.ori %or3A_231, %ne3A_230 : i1
          %or3A_233 = arith.ori %or3A_232, %eq3A_154 : i1
          %convert_element_type3A_234 = arith.extui %or3A_233 : i1 to i32
          %cond3A_235 = arith.constant 0 : i32
          %cond3A_236 = arith.cmpi ne, %convert_element_type3A_234, %cond3A_235 : i32
          scf.if %cond3A_236 {
          } else {
          }
          %and3A_237 = arith.constant false
          %and3A_238 = arith.andi %or3A_233, %and3A_237 : i1
          %ne3A_239 = arith.cmpi ne, %add3A_155, %add3A_173 : i32
          %or3A_240 = arith.constant false
          %or3A_241 = arith.ori %or3A_240, %ne3A_239 : i1
          %or3A_242 = arith.constant false
          %or3A_243 = arith.ori %or3A_241, %or3A_242 : i1
          %or3A_244 = arith.ori %or3A_243, %eq3A_154 : i1
          %convert_element_type3A_245 = arith.extui %or3A_244 : i1 to i32
          %cond3A_246 = arith.constant 0 : i32
          %cond3A_247 = arith.cmpi ne, %convert_element_type3A_245, %cond3A_246 : i32
          scf.if %cond3A_247 {
            "tpu.trace_start"() <{level = 10 : i32, message = "ep_copy_out"}> : () -> ()
            %rem3A_294 = arith.constant 2 : i32
            %rem3A_295 = arith.remui %while3A_145, %rem3A_294 : i32
            %mul3A_296 = arith.constant 256 : i32
            %mul3A_297 = arith.muli %mul3A_296, %add3A_155 : i32
            %dma_start3A_298 = arith.constant 0 : i32
            %dma_start3A_299 = arith.constant 0 : i32
            %dma_start3A_300 = tpu.memref_slice %run_scoped3A_18[%rem3A_295, %dma_start3A_298, %dma_start3A_299] : memref<2x256x128xf32, #tpu.memory_space<vmem>> -> memref<1x256x128xf32, #tpu.memory_space<vmem>>
            %dma_start3A_301 = tpu.memref_squeeze %dma_start3A_300 : memref<1x256x128xf32, #tpu.memory_space<vmem>> -> memref<256x128xf32, #tpu.memory_space<vmem>>
            %dma_start3A_302 = arith.constant 0 : i32
            %dma_start3A_303 = tpu.memref_slice %arg4[%mul3A_297, %dma_start3A_302] : memref<34816x128xf32, #tpu.memory_space<hbm>> -> memref<256x128xf32, #tpu.memory_space<hbm>>
            %dma_start3A_304 = tpu.memref_slice %run_scoped3A_19[%rem3A_295] : memref<2x!tpu.dma_semaphore, #tpu.memory_space<semaphore_mem>> -> memref<1x!tpu.dma_semaphore, #tpu.memory_space<semaphore_mem>>
            %dma_start3A_305 = tpu.memref_squeeze %dma_start3A_304 : memref<1x!tpu.dma_semaphore, #tpu.memory_space<semaphore_mem>> -> memref<!tpu.dma_semaphore, #tpu.memory_space<semaphore_mem>>
            %dma_start3A_306 = arith.constant 0 : i32
            %dma_start3A_307 = tpu.memref_slice %arg4[%mul3A_297, %dma_start3A_306] : memref<34816x128xf32, #tpu.memory_space<hbm>> -> memref<256x128xf32, #tpu.memory_space<hbm>>
            %dma_start3A_308 = arith.constant 0 : i32
            %dma_start3A_309 = arith.constant 0 : i32
            %dma_start3A_310 = tpu.memref_slice %run_scoped3A_18[%rem3A_295, %dma_start3A_308, %dma_start3A_309] : memref<2x256x128xf32, #tpu.memory_space<vmem>> -> memref<1x256x128xf32, #tpu.memory_space<vmem>>
            %dma_start3A_311 = tpu.memref_squeeze %dma_start3A_310 : memref<1x256x128xf32, #tpu.memory_space<vmem>> -> memref<256x128xf32, #tpu.memory_space<vmem>>
            tpu.enqueue_dma source(%dma_start3A_311 : memref<256x128xf32, #tpu.memory_space<vmem>>) target(%dma_start3A_307 : memref<256x128xf32, #tpu.memory_space<hbm>>) target_semaphore(%dma_start3A_305 : memref<!tpu.dma_semaphore, #tpu.memory_space<semaphore_mem>>)
            "tpu.trace_stop"() : () -> ()
          } else {
          }
          %and3A_248 = arith.constant true
          %and3A_249 = arith.andi %or3A_244, %and3A_248 : i1
          %add3A_250 = arith.constant 1 : i32
          %add3A_251 = arith.addi %while3A_145, %add3A_250 : i32
          %select_n3A_252 = arith.select %and3A_249, %add3A_251, %while3A_145 : i32
          %ne3A_253 = arith.cmpi ne, %add3A_155, %add3A_165 : i32
          %or3A_254 = arith.constant false
          %or3A_255 = arith.ori %or3A_254, %ne3A_253 : i1
          %not3A_256 = arith.constant true
          %not3A_257 = arith.xori %eq3A_151, %not3A_256 : i1
          %and3A_258 = arith.andi %or3A_255, %not3A_257 : i1
          %convert_element_type3A_259 = arith.extui %and3A_258 : i1 to i32
          %cond3A_260 = arith.constant 0 : i32
          %cond3A_261 = arith.cmpi ne, %convert_element_type3A_259, %cond3A_260 : i32
          scf.if %cond3A_261 {
          } else {
          }
          %and3A_262 = arith.constant false
          %and3A_263 = arith.andi %and3A_258, %and3A_262 : i1
          %ne3A_264 = arith.cmpi ne, %add3A_155, %add3A_165 : i32
          %or3A_265 = arith.constant false
          %or3A_266 = arith.ori %or3A_265, %ne3A_264 : i1
          %or3A_267 = arith.constant false
          %or3A_268 = arith.ori %or3A_266, %or3A_267 : i1
          %not3A_269 = arith.constant true
          %not3A_270 = arith.xori %eq3A_151, %not3A_269 : i1
          %and3A_271 = arith.andi %or3A_268, %not3A_270 : i1
          %convert_element_type3A_272 = arith.extui %and3A_271 : i1 to i32
          %cond3A_273 = arith.constant 0 : i32
          %cond3A_274 = arith.cmpi ne, %convert_element_type3A_272, %cond3A_273 : i32
          scf.if %cond3A_274 {
            "tpu.trace_start"() <{level = 10 : i32, message = "ep_wait_out"}> : () -> ()
            %rem3A_294 = arith.constant 2 : i32
            %rem3A_295 = arith.remui %while3A_146, %rem3A_294 : i32
            %mul3A_296 = arith.constant 256 : i32
            %mul3A_297 = arith.muli %mul3A_296, %add3A_165 : i32
            %dma_wait3A = arith.constant 0 : i32
            %dma_wait3A_298 = arith.constant 0 : i32
            %dma_wait3A_299 = tpu.memref_slice %run_scoped3A_18[%rem3A_295, %dma_wait3A, %dma_wait3A_298] : memref<2x256x128xf32, #tpu.memory_space<vmem>> -> memref<1x256x128xf32, #tpu.memory_space<vmem>>
            %dma_wait3A_300 = tpu.memref_squeeze %dma_wait3A_299 : memref<1x256x128xf32, #tpu.memory_space<vmem>> -> memref<256x128xf32, #tpu.memory_space<vmem>>
            %dma_wait3A_301 = arith.constant 0 : i32
            %dma_wait3A_302 = tpu.memref_slice %arg4[%mul3A_297, %dma_wait3A_301] : memref<34816x128xf32, #tpu.memory_space<hbm>> -> memref<256x128xf32, #tpu.memory_space<hbm>>
            %dma_wait3A_303 = tpu.memref_slice %run_scoped3A_19[%rem3A_295] : memref<2x!tpu.dma_semaphore, #tpu.memory_space<semaphore_mem>> -> memref<1x!tpu.dma_semaphore, #tpu.memory_space<semaphore_mem>>
            %dma_wait3A_304 = tpu.memref_squeeze %dma_wait3A_303 : memref<1x!tpu.dma_semaphore, #tpu.memory_space<semaphore_mem>> -> memref<!tpu.dma_semaphore, #tpu.memory_space<semaphore_mem>>
            %dma_wait3A_305 = arith.constant 0 : i32
            %dma_wait3A_306 = tpu.memref_slice %arg4[%mul3A_297, %dma_wait3A_305] : memref<34816x128xf32, #tpu.memory_space<hbm>> -> memref<256x128xf32, #tpu.memory_space<hbm>>
            %dma_wait3A_307 = arith.constant 0 : i32
            %dma_wait3A_308 = arith.constant 0 : i32
            %dma_wait3A_309 = tpu.memref_slice %run_scoped3A_18[%rem3A_295, %dma_wait3A_307, %dma_wait3A_308] : memref<2x256x128xf32, #tpu.memory_space<vmem>> -> memref<1x256x128xf32, #tpu.memory_space<vmem>>
            %dma_wait3A_310 = tpu.memref_squeeze %dma_wait3A_309 : memref<1x256x128xf32, #tpu.memory_space<vmem>> -> memref<256x128xf32, #tpu.memory_space<vmem>>
            tpu.wait_dma2 semaphore(%dma_wait3A_304 : memref<!tpu.dma_semaphore, #tpu.memory_space<semaphore_mem>>) src(%dma_wait3A_310 : memref<256x128xf32, #tpu.memory_space<vmem>>) dst(%dma_wait3A_306 : memref<256x128xf32, #tpu.memory_space<hbm>>)
            "tpu.trace_stop"() : () -> ()
          } else {
          }
          %and3A_275 = arith.constant true
          %and3A_276 = arith.andi %and3A_271, %and3A_275 : i1
          %add3A_277 = arith.constant 1 : i32
          %add3A_278 = arith.addi %while3A_146, %add3A_277 : i32
          %select_n3A_279 = arith.select %and3A_276, %add3A_278, %while3A_146 : i32
          %ne3A_280 = arith.cmpi ne, %add3A_155, %add3A_173 : i32
          %or3A_281 = arith.constant false
          %or3A_282 = arith.ori %or3A_281, %ne3A_280 : i1
          %or3A_283 = arith.ori %or3A_282, %eq3A_154 : i1
          %add3A_284 = arith.constant 1 : i32
          %add3A_285 = arith.addi %while3A_144, %add3A_284 : i32
          %select_n3A_286 = arith.select %or3A_283, %add3A_285, %while3A_144 : i32
          %add3A_287 = arith.constant 1 : i32
          %add3A_288 = arith.addi %while3A_147, %add3A_287 : i32
          %select_n3A_289 = arith.constant true
          %select_n3A_290 = arith.select %select_n3A_289, %add3A_288, %while3A_147 : i32
          %eq3A_291 = arith.cmpi eq, %select_n3A_290, %select_n3A : i32
          %select_n3A_292 = arith.constant 0 : i32
          %select_n3A_293 = arith.select %eq3A_291, %select_n3A_292, %select_n3A_290 : i32
          scf.yield %select_n3A_195, %select_n3A_286, %select_n3A_252, %select_n3A_279, %select_n3A_293 : i32, i32, i32, i32, i32
        }
        %while3A_89 = arith.constant 1 : i32
        %while3A_90:5 = scf.for %while3A_142 = %while3A_86 to %while3A_82 step %while3A_89 iter_args(%while3A_143 = %while3A_88#0, %while3A_144 = %while3A_88#1, %while3A_145 = %while3A_88#2, %while3A_146 = %while3A_88#3, %while3A_147 = %while3A_88#4) -> (i32, i32, i32, i32, i32)  : i32 {
          %mul3A_148 = arith.constant 1 : i32
          %mul3A_149 = arith.muli %mul3A_148, %select_n3A : i32
          %eq3A_150 = arith.constant 0 : i32
          %eq3A_151 = arith.cmpi eq, %while3A_142, %eq3A_150 : i32
          %sub3A_152 = arith.constant 1 : i32
          %sub3A_153 = arith.subi %mul3A_149, %sub3A_152 : i32
          %eq3A_154 = arith.cmpi eq, %while3A_142, %sub3A_153 : i32
          %add3A_155 = arith.addi %while3A_147, %select_n3A_14 : i32
          %sub3A_156 = arith.constant 1 : i32
          %sub3A_157 = arith.subi %while3A_147, %sub3A_156 : i32
          %select_n3A_158 = arith.constant true
          %select_n3A_159 = arith.select %select_n3A_158, %sub3A_157, %while3A_147 : i32
          %eq3A_160 = arith.constant -1 : i32
          %eq3A_161 = arith.cmpi eq, %select_n3A_159, %eq3A_160 : i32
          %sub3A_162 = arith.constant 1 : i32
          %sub3A_163 = arith.subi %select_n3A, %sub3A_162 : i32
          %select_n3A_164 = arith.select %eq3A_161, %sub3A_163, %select_n3A_159 : i32
          %add3A_165 = arith.addi %select_n3A_164, %select_n3A_14 : i32
          %add3A_166 = arith.constant 1 : i32
          %add3A_167 = arith.addi %while3A_147, %add3A_166 : i32
          %select_n3A_168 = arith.constant true
          %select_n3A_169 = arith.select %select_n3A_168, %add3A_167, %while3A_147 : i32
          %eq3A_170 = arith.cmpi eq, %select_n3A_169, %select_n3A : i32
          %select_n3A_171 = arith.constant 0 : i32
          %select_n3A_172 = arith.select %eq3A_170, %select_n3A_171, %select_n3A_169 : i32
          %add3A_173 = arith.addi %select_n3A_172, %select_n3A_14 : i32
          %add3A_174 = arith.constant 1 : i32
          %add3A_175 = arith.addi %select_n3A_172, %add3A_174 : i32
          %select_n3A_176 = arith.constant true
          %select_n3A_177 = arith.select %select_n3A_176, %add3A_175, %select_n3A_172 : i32
          %eq3A_178 = arith.cmpi eq, %select_n3A_177, %select_n3A : i32
          %select_n3A_179 = arith.constant 0 : i32
          %select_n3A_180 = arith.select %eq3A_178, %select_n3A_179, %select_n3A_177 : i32
          %add3A_181 = arith.addi %select_n3A_180, %select_n3A_14 : i32
          %ne3A = arith.cmpi ne, %add3A_155, %add3A_173 : i32
          %or3A = arith.constant false
          %or3A_182 = arith.ori %or3A, %ne3A : i1
          %sub3A_183 = arith.constant 2 : i32
          %sub3A_184 = arith.subi %mul3A_149, %sub3A_183 : i32
          %add3A_185 = arith.constant 1 : i32
          %add3A_186 = arith.addi %sub3A_184, %add3A_185 : i32
          %ge3A = arith.cmpi sge, %while3A_142, %add3A_186 : i32
          %not3A = arith.constant true
          %not3A_187 = arith.xori %ge3A, %not3A : i1
          %and3A = arith.andi %or3A_182, %not3A_187 : i1
          %convert_element_type3A_188 = arith.extui %and3A : i1 to i32
          %cond3A_189 = arith.constant 0 : i32
          %cond3A_190 = arith.cmpi ne, %convert_element_type3A_188, %cond3A_189 : i32
          scf.if %cond3A_190 {
            "tpu.trace_start"() <{level = 10 : i32, message = "ep_copy_in"}> : () -> ()
            %rem3A_294 = arith.constant 2 : i32
            %rem3A_295 = arith.remui %while3A_143, %rem3A_294 : i32
            %mul3A_296 = arith.constant 256 : i32
            %mul3A_297 = arith.muli %mul3A_296, %add3A_173 : i32
            %dma_start3A_298 = arith.constant 0 : i32
            %dma_start3A_299 = arith.constant 0 : i32
            %dma_start3A_300 = tpu.memref_slice %run_scoped3A[%rem3A_295, %dma_start3A_298, %dma_start3A_299] : memref<2x1x256xi32, #tpu.memory_space<vmem>> -> memref<1x1x256xi32, #tpu.memory_space<vmem>>
            %dma_start3A_301 = tpu.memref_squeeze %dma_start3A_300 : memref<1x1x256xi32, #tpu.memory_space<vmem>> -> memref<1x256xi32, #tpu.memory_space<vmem>>
            %dma_start3A_302 = arith.constant 0 : i32
            %dma_start3A_303 = tpu.memref_slice %arg3[%dma_start3A_302, %mul3A_297] : memref<1x34816xi32, #tpu.memory_space<hbm>> -> memref<1x256xi32, #tpu.memory_space<hbm>>
            %dma_start3A_304 = tpu.memref_slice %run_scoped3A_17[%rem3A_295] : memref<2x!tpu.dma_semaphore, #tpu.memory_space<semaphore_mem>> -> memref<1x!tpu.dma_semaphore, #tpu.memory_space<semaphore_mem>>
            %dma_start3A_305 = tpu.memref_squeeze %dma_start3A_304 : memref<1x!tpu.dma_semaphore, #tpu.memory_space<semaphore_mem>> -> memref<!tpu.dma_semaphore, #tpu.memory_space<semaphore_mem>>
            %dma_start3A_306 = arith.constant 0 : i32
            %dma_start3A_307 = arith.constant 0 : i32
            %dma_start3A_308 = tpu.memref_slice %run_scoped3A[%rem3A_295, %dma_start3A_306, %dma_start3A_307] : memref<2x1x256xi32, #tpu.memory_space<vmem>> -> memref<1x1x256xi32, #tpu.memory_space<vmem>>
            %dma_start3A_309 = tpu.memref_squeeze %dma_start3A_308 : memref<1x1x256xi32, #tpu.memory_space<vmem>> -> memref<1x256xi32, #tpu.memory_space<vmem>>
            %dma_start3A_310 = arith.constant 0 : i32
            %dma_start3A_311 = tpu.memref_slice %arg3[%dma_start3A_310, %mul3A_297] : memref<1x34816xi32, #tpu.memory_space<hbm>> -> memref<1x256xi32, #tpu.memory_space<hbm>>
            tpu.enqueue_dma source(%dma_start3A_311 : memref<1x256xi32, #tpu.memory_space<hbm>>) target(%dma_start3A_309 : memref<1x256xi32, #tpu.memory_space<vmem>>) target_semaphore(%dma_start3A_305 : memref<!tpu.dma_semaphore, #tpu.memory_space<semaphore_mem>>)
            "tpu.trace_stop"() : () -> ()
          } else {
          }
          %and3A_191 = arith.constant true
          %and3A_192 = arith.andi %and3A, %and3A_191 : i1
          %add3A_193 = arith.constant 1 : i32
          %add3A_194 = arith.addi %while3A_143, %add3A_193 : i32
          %select_n3A_195 = arith.select %and3A_192, %add3A_194, %while3A_143 : i32
          %ne3A_196 = arith.cmpi ne, %add3A_155, %add3A_173 : i32
          %or3A_197 = arith.constant false
          %or3A_198 = arith.ori %or3A_197, %ne3A_196 : i1
          %or3A_199 = arith.constant false
          %or3A_200 = arith.ori %or3A_198, %or3A_199 : i1
          %sub3A_201 = arith.constant 2 : i32
          %sub3A_202 = arith.subi %mul3A_149, %sub3A_201 : i32
          %add3A_203 = arith.constant 1 : i32
          %add3A_204 = arith.addi %sub3A_202, %add3A_203 : i32
          %ge3A_205 = arith.cmpi sge, %while3A_142, %add3A_204 : i32
          %not3A_206 = arith.constant true
          %not3A_207 = arith.xori %ge3A_205, %not3A_206 : i1
          %and3A_208 = arith.andi %or3A_200, %not3A_207 : i1
          %ne3A_209 = arith.cmpi ne, %add3A_155, %add3A_165 : i32
          %or3A_210 = arith.constant false
          %or3A_211 = arith.ori %or3A_210, %ne3A_209 : i1
          %or3A_212 = arith.ori %or3A_211, %eq3A_151 : i1
          %convert_element_type3A_213 = arith.extui %or3A_212 : i1 to i32
          %cond3A_214 = arith.constant 0 : i32
          %cond3A_215 = arith.cmpi ne, %convert_element_type3A_213, %cond3A_214 : i32
          scf.if %cond3A_215 {
            "tpu.trace_start"() <{level = 10 : i32, message = "ep_wait_in"}> : () -> ()
            %mul3A_294 = arith.constant 256 : i32
            %mul3A_295 = arith.muli %mul3A_294, %add3A_155 : i32
            %rem3A_296 = arith.constant 2 : i32
            %rem3A_297 = arith.remui %while3A_144, %rem3A_296 : i32
            %dma_wait3A = arith.constant 0 : i32
            %dma_wait3A_298 = arith.constant 0 : i32
            %dma_wait3A_299 = tpu.memref_slice %run_scoped3A[%rem3A_297, %dma_wait3A, %dma_wait3A_298] : memref<2x1x256xi32, #tpu.memory_space<vmem>> -> memref<1x1x256xi32, #tpu.memory_space<vmem>>
            %dma_wait3A_300 = tpu.memref_squeeze %dma_wait3A_299 : memref<1x1x256xi32, #tpu.memory_space<vmem>> -> memref<1x256xi32, #tpu.memory_space<vmem>>
            %dma_wait3A_301 = arith.constant 0 : i32
            %dma_wait3A_302 = tpu.memref_slice %arg3[%dma_wait3A_301, %mul3A_295] : memref<1x34816xi32, #tpu.memory_space<hbm>> -> memref<1x256xi32, #tpu.memory_space<hbm>>
            %dma_wait3A_303 = tpu.memref_slice %run_scoped3A_17[%rem3A_297] : memref<2x!tpu.dma_semaphore, #tpu.memory_space<semaphore_mem>> -> memref<1x!tpu.dma_semaphore, #tpu.memory_space<semaphore_mem>>
            %dma_wait3A_304 = tpu.memref_squeeze %dma_wait3A_303 : memref<1x!tpu.dma_semaphore, #tpu.memory_space<semaphore_mem>> -> memref<!tpu.dma_semaphore, #tpu.memory_space<semaphore_mem>>
            %dma_wait3A_305 = arith.constant 0 : i32
            %dma_wait3A_306 = arith.constant 0 : i32
            %dma_wait3A_307 = tpu.memref_slice %run_scoped3A[%rem3A_297, %dma_wait3A_305, %dma_wait3A_306] : memref<2x1x256xi32, #tpu.memory_space<vmem>> -> memref<1x1x256xi32, #tpu.memory_space<vmem>>
            %dma_wait3A_308 = tpu.memref_squeeze %dma_wait3A_307 : memref<1x1x256xi32, #tpu.memory_space<vmem>> -> memref<1x256xi32, #tpu.memory_space<vmem>>
            %dma_wait3A_309 = arith.constant 0 : i32
            %dma_wait3A_310 = tpu.memref_slice %arg3[%dma_wait3A_309, %mul3A_295] : memref<1x34816xi32, #tpu.memory_space<hbm>> -> memref<1x256xi32, #tpu.memory_space<hbm>>
            tpu.wait_dma2 semaphore(%dma_wait3A_304 : memref<!tpu.dma_semaphore, #tpu.memory_space<semaphore_mem>>) src(%dma_wait3A_310 : memref<1x256xi32, #tpu.memory_space<hbm>>) dst(%dma_wait3A_308 : memref<1x256xi32, #tpu.memory_space<vmem>>)
            "tpu.trace_stop"() : () -> ()
          } else {
          }
          %ne3A_216 = arith.cmpi ne, %add3A_155, %add3A_165 : i32
          %or3A_217 = arith.constant false
          %or3A_218 = arith.ori %or3A_217, %ne3A_216 : i1
          %or3A_219 = arith.constant false
          %or3A_220 = arith.ori %or3A_218, %or3A_219 : i1
          %or3A_221 = arith.ori %or3A_220, %eq3A_151 : i1
          %convert_element_type3A_222 = arith.extui %or3A_221 : i1 to i32
          %cond3A_223 = arith.constant 0 : i32
          %cond3A_224 = arith.cmpi ne, %convert_element_type3A_222, %cond3A_223 : i32
          scf.if %cond3A_224 {
          } else {
          }
          %rem3A_225 = arith.constant 2 : i32
          %rem3A_226 = arith.remui %while3A_144, %rem3A_225 : i32
          %rem3A_227 = arith.constant 2 : i32
          %rem3A_228 = arith.remui %while3A_145, %rem3A_227 : i32
          %run_scoped3A_229 = arith.constant 0 : i32
          "tpu.trace_start"() <{level = 10 : i32, message = "ep_run_kernel"}> : () -> ()
          "tpu.region"() ({
            %run_scoped3A_294 = tpu.sem_alloc : memref<!tpu.dma_semaphore, #tpu.memory_space<semaphore_mem>>
            %dma_start3A_295 = arith.constant 0 : i32
            %dma_start3A_296 = arith.constant 0 : i32
            %dma_start3A_297 = tpu.memref_slice %run_scoped3A_18[%rem3A_228, %dma_start3A_295, %dma_start3A_296] : memref<2x256x128xf32, #tpu.memory_space<vmem>> -> memref<1x256x128xf32, #tpu.memory_space<vmem>>
            %dma_start3A_298 = tpu.memref_squeeze %dma_start3A_297 : memref<1x256x128xf32, #tpu.memory_space<vmem>> -> memref<256x128xf32, #tpu.memory_space<vmem>>
            %dma_start3A_299 = arith.constant 0 : i32
            %dma_start3A_300 = arith.constant 0 : i32
            %dma_start3A_301 = tpu.memref_slice %run_scoped3A[%rem3A_226, %dma_start3A_299, %dma_start3A_300] : memref<2x1x256xi32, #tpu.memory_space<vmem>> -> memref<1x1x256xi32, #tpu.memory_space<vmem>>
            %dma_start3A_302 = tpu.memref_squeeze %dma_start3A_301 : memref<1x1x256xi32, #tpu.memory_space<vmem>> -> memref<1x256xi32, #tpu.memory_space<vmem>>
            %dma_start3A_303 = arith.constant 0 : i32
            %dma_start3A_304 = tpu.memref_slice %dma_start3A_302[%run_scoped3A_229, %dma_start3A_303] : memref<1x256xi32, #tpu.memory_space<vmem>> -> memref<1x256xi32, #tpu.memory_space<vmem>>
            %dma_start3A_305 = tpu.memref_squeeze %dma_start3A_304 : memref<1x256xi32, #tpu.memory_space<vmem>> -> memref<256xi32, #tpu.memory_space<vmem>>
            %dma_start3A_306 = arith.constant 0 : i32
            %dma_start3A_307 = arith.constant 0 : i32
            %dma_start3A_308 = tpu.memref_slice %arg2[%dma_start3A_306, %dma_start3A_307] : memref<32768x128xf32, #tpu.memory_space<hbm>> -> memref<32768x128xf32, #tpu.memory_space<hbm>>
            tpu.enqueue_indirect_dma source(%dma_start3A_308 : memref<32768x128xf32, #tpu.memory_space<hbm>>) target(%dma_start3A_298 : memref<256x128xf32, #tpu.memory_space<vmem>>) offsets(%dma_start3A_305 : memref<256xi32, #tpu.memory_space<vmem>>) semaphore(%run_scoped3A_294 : memref<!tpu.dma_semaphore, #tpu.memory_space<semaphore_mem>>)
            %dma_wait3A = arith.constant 0 : i32
            %dma_wait3A_309 = arith.constant 0 : i32
            %dma_wait3A_310 = tpu.memref_slice %run_scoped3A_18[%rem3A_228, %dma_wait3A, %dma_wait3A_309] : memref<2x256x128xf32, #tpu.memory_space<vmem>> -> memref<1x256x128xf32, #tpu.memory_space<vmem>>
            %dma_wait3A_311 = tpu.memref_squeeze %dma_wait3A_310 : memref<1x256x128xf32, #tpu.memory_space<vmem>> -> memref<256x128xf32, #tpu.memory_space<vmem>>
            %dma_wait3A_312 = arith.constant 0 : i32
            %dma_wait3A_313 = arith.constant 0 : i32
            %dma_wait3A_314 = tpu.memref_slice %run_scoped3A[%rem3A_226, %dma_wait3A_312, %dma_wait3A_313] : memref<2x1x256xi32, #tpu.memory_space<vmem>> -> memref<1x1x256xi32, #tpu.memory_space<vmem>>
            %dma_wait3A_315 = tpu.memref_squeeze %dma_wait3A_314 : memref<1x1x256xi32, #tpu.memory_space<vmem>> -> memref<1x256xi32, #tpu.memory_space<vmem>>
            %dma_wait3A_316 = arith.constant 0 : i32
            %dma_wait3A_317 = tpu.memref_slice %dma_wait3A_315[%run_scoped3A_229, %dma_wait3A_316] : memref<1x256xi32, #tpu.memory_space<vmem>> -> memref<1x256xi32, #tpu.memory_space<vmem>>
            %dma_wait3A_318 = tpu.memref_squeeze %dma_wait3A_317 : memref<1x256xi32, #tpu.memory_space<vmem>> -> memref<256xi32, #tpu.memory_space<vmem>>
            %dma_wait3A_319 = arith.constant 0 : i32
            %dma_wait3A_320 = arith.constant 0 : i32
            %dma_wait3A_321 = tpu.memref_slice %arg2[%dma_wait3A_319, %dma_wait3A_320] : memref<32768x128xf32, #tpu.memory_space<hbm>> -> memref<32768x128xf32, #tpu.memory_space<hbm>>
            tpu.wait_indirect_dma semaphore(%run_scoped3A_294 : memref<!tpu.dma_semaphore, #tpu.memory_space<semaphore_mem>>) src(%dma_wait3A_321 : memref<32768x128xf32, #tpu.memory_space<hbm>>) dst(%dma_wait3A_311 : memref<256x128xf32, #tpu.memory_space<vmem>>)
            tpu.yield
          }) : () -> ()
          "tpu.trace_stop"() : () -> ()
          %ne3A_230 = arith.cmpi ne, %add3A_155, %add3A_173 : i32
          %or3A_231 = arith.constant false
          %or3A_232 = arith.ori %or3A_231, %ne3A_230 : i1
          %or3A_233 = arith.ori %or3A_232, %eq3A_154 : i1
          %convert_element_type3A_234 = arith.extui %or3A_233 : i1 to i32
          %cond3A_235 = arith.constant 0 : i32
          %cond3A_236 = arith.cmpi ne, %convert_element_type3A_234, %cond3A_235 : i32
          scf.if %cond3A_236 {
          } else {
          }
          %and3A_237 = arith.constant false
          %and3A_238 = arith.andi %or3A_233, %and3A_237 : i1
          %ne3A_239 = arith.cmpi ne, %add3A_155, %add3A_173 : i32
          %or3A_240 = arith.constant false
          %or3A_241 = arith.ori %or3A_240, %ne3A_239 : i1
          %or3A_242 = arith.constant false
          %or3A_243 = arith.ori %or3A_241, %or3A_242 : i1
          %or3A_244 = arith.ori %or3A_243, %eq3A_154 : i1
          %convert_element_type3A_245 = arith.extui %or3A_244 : i1 to i32
          %cond3A_246 = arith.constant 0 : i32
          %cond3A_247 = arith.cmpi ne, %convert_element_type3A_245, %cond3A_246 : i32
          scf.if %cond3A_247 {
            "tpu.trace_start"() <{level = 10 : i32, message = "ep_copy_out"}> : () -> ()
            %rem3A_294 = arith.constant 2 : i32
            %rem3A_295 = arith.remui %while3A_145, %rem3A_294 : i32
            %mul3A_296 = arith.constant 256 : i32
            %mul3A_297 = arith.muli %mul3A_296, %add3A_155 : i32
            %dma_start3A_298 = arith.constant 0 : i32
            %dma_start3A_299 = arith.constant 0 : i32
            %dma_start3A_300 = tpu.memref_slice %run_scoped3A_18[%rem3A_295, %dma_start3A_298, %dma_start3A_299] : memref<2x256x128xf32, #tpu.memory_space<vmem>> -> memref<1x256x128xf32, #tpu.memory_space<vmem>>
            %dma_start3A_301 = tpu.memref_squeeze %dma_start3A_300 : memref<1x256x128xf32, #tpu.memory_space<vmem>> -> memref<256x128xf32, #tpu.memory_space<vmem>>
            %dma_start3A_302 = arith.constant 0 : i32
            %dma_start3A_303 = tpu.memref_slice %arg4[%mul3A_297, %dma_start3A_302] : memref<34816x128xf32, #tpu.memory_space<hbm>> -> memref<256x128xf32, #tpu.memory_space<hbm>>
            %dma_start3A_304 = tpu.memref_slice %run_scoped3A_19[%rem3A_295] : memref<2x!tpu.dma_semaphore, #tpu.memory_space<semaphore_mem>> -> memref<1x!tpu.dma_semaphore, #tpu.memory_space<semaphore_mem>>
            %dma_start3A_305 = tpu.memref_squeeze %dma_start3A_304 : memref<1x!tpu.dma_semaphore, #tpu.memory_space<semaphore_mem>> -> memref<!tpu.dma_semaphore, #tpu.memory_space<semaphore_mem>>
            %dma_start3A_306 = arith.constant 0 : i32
            %dma_start3A_307 = tpu.memref_slice %arg4[%mul3A_297, %dma_start3A_306] : memref<34816x128xf32, #tpu.memory_space<hbm>> -> memref<256x128xf32, #tpu.memory_space<hbm>>
            %dma_start3A_308 = arith.constant 0 : i32
            %dma_start3A_309 = arith.constant 0 : i32
            %dma_start3A_310 = tpu.memref_slice %run_scoped3A_18[%rem3A_295, %dma_start3A_308, %dma_start3A_309] : memref<2x256x128xf32, #tpu.memory_space<vmem>> -> memref<1x256x128xf32, #tpu.memory_space<vmem>>
            %dma_start3A_311 = tpu.memref_squeeze %dma_start3A_310 : memref<1x256x128xf32, #tpu.memory_space<vmem>> -> memref<256x128xf32, #tpu.memory_space<vmem>>
            tpu.enqueue_dma source(%dma_start3A_311 : memref<256x128xf32, #tpu.memory_space<vmem>>) target(%dma_start3A_307 : memref<256x128xf32, #tpu.memory_space<hbm>>) target_semaphore(%dma_start3A_305 : memref<!tpu.dma_semaphore, #tpu.memory_space<semaphore_mem>>)
            "tpu.trace_stop"() : () -> ()
          } else {
          }
          %and3A_248 = arith.constant true
          %and3A_249 = arith.andi %or3A_244, %and3A_248 : i1
          %add3A_250 = arith.constant 1 : i32
          %add3A_251 = arith.addi %while3A_145, %add3A_250 : i32
          %select_n3A_252 = arith.select %and3A_249, %add3A_251, %while3A_145 : i32
          %ne3A_253 = arith.cmpi ne, %add3A_155, %add3A_165 : i32
          %or3A_254 = arith.constant false
          %or3A_255 = arith.ori %or3A_254, %ne3A_253 : i1
          %not3A_256 = arith.constant true
          %not3A_257 = arith.xori %eq3A_151, %not3A_256 : i1
          %and3A_258 = arith.andi %or3A_255, %not3A_257 : i1
          %convert_element_type3A_259 = arith.extui %and3A_258 : i1 to i32
          %cond3A_260 = arith.constant 0 : i32
          %cond3A_261 = arith.cmpi ne, %convert_element_type3A_259, %cond3A_260 : i32
          scf.if %cond3A_261 {
          } else {
          }
          %and3A_262 = arith.constant false
          %and3A_263 = arith.andi %and3A_258, %and3A_262 : i1
          %ne3A_264 = arith.cmpi ne, %add3A_155, %add3A_165 : i32
          %or3A_265 = arith.constant false
          %or3A_266 = arith.ori %or3A_265, %ne3A_264 : i1
          %or3A_267 = arith.constant false
          %or3A_268 = arith.ori %or3A_266, %or3A_267 : i1
          %not3A_269 = arith.constant true
          %not3A_270 = arith.xori %eq3A_151, %not3A_269 : i1
          %and3A_271 = arith.andi %or3A_268, %not3A_270 : i1
          %convert_element_type3A_272 = arith.extui %and3A_271 : i1 to i32
          %cond3A_273 = arith.constant 0 : i32
          %cond3A_274 = arith.cmpi ne, %convert_element_type3A_272, %cond3A_273 : i32
          scf.if %cond3A_274 {
            "tpu.trace_start"() <{level = 10 : i32, message = "ep_wait_out"}> : () -> ()
            %rem3A_294 = arith.constant 2 : i32
            %rem3A_295 = arith.remui %while3A_146, %rem3A_294 : i32
            %mul3A_296 = arith.constant 256 : i32
            %mul3A_297 = arith.muli %mul3A_296, %add3A_165 : i32
            %dma_wait3A = arith.constant 0 : i32
            %dma_wait3A_298 = arith.constant 0 : i32
            %dma_wait3A_299 = tpu.memref_slice %run_scoped3A_18[%rem3A_295, %dma_wait3A, %dma_wait3A_298] : memref<2x256x128xf32, #tpu.memory_space<vmem>> -> memref<1x256x128xf32, #tpu.memory_space<vmem>>
            %dma_wait3A_300 = tpu.memref_squeeze %dma_wait3A_299 : memref<1x256x128xf32, #tpu.memory_space<vmem>> -> memref<256x128xf32, #tpu.memory_space<vmem>>
            %dma_wait3A_301 = arith.constant 0 : i32
            %dma_wait3A_302 = tpu.memref_slice %arg4[%mul3A_297, %dma_wait3A_301] : memref<34816x128xf32, #tpu.memory_space<hbm>> -> memref<256x128xf32, #tpu.memory_space<hbm>>
            %dma_wait3A_303 = tpu.memref_slice %run_scoped3A_19[%rem3A_295] : memref<2x!tpu.dma_semaphore, #tpu.memory_space<semaphore_mem>> -> memref<1x!tpu.dma_semaphore, #tpu.memory_space<semaphore_mem>>
            %dma_wait3A_304 = tpu.memref_squeeze %dma_wait3A_303 : memref<1x!tpu.dma_semaphore, #tpu.memory_space<semaphore_mem>> -> memref<!tpu.dma_semaphore, #tpu.memory_space<semaphore_mem>>
            %dma_wait3A_305 = arith.constant 0 : i32
            %dma_wait3A_306 = tpu.memref_slice %arg4[%mul3A_297, %dma_wait3A_305] : memref<34816x128xf32, #tpu.memory_space<hbm>> -> memref<256x128xf32, #tpu.memory_space<hbm>>
            %dma_wait3A_307 = arith.constant 0 : i32
            %dma_wait3A_308 = arith.constant 0 : i32
            %dma_wait3A_309 = tpu.memref_slice %run_scoped3A_18[%rem3A_295, %dma_wait3A_307, %dma_wait3A_308] : memref<2x256x128xf32, #tpu.memory_space<vmem>> -> memref<1x256x128xf32, #tpu.memory_space<vmem>>
            %dma_wait3A_310 = tpu.memref_squeeze %dma_wait3A_309 : memref<1x256x128xf32, #tpu.memory_space<vmem>> -> memref<256x128xf32, #tpu.memory_space<vmem>>
            tpu.wait_dma2 semaphore(%dma_wait3A_304 : memref<!tpu.dma_semaphore, #tpu.memory_space<semaphore_mem>>) src(%dma_wait3A_310 : memref<256x128xf32, #tpu.memory_space<vmem>>) dst(%dma_wait3A_306 : memref<256x128xf32, #tpu.memory_space<hbm>>)
            "tpu.trace_stop"() : () -> ()
          } else {
          }
          %and3A_275 = arith.constant true
          %and3A_276 = arith.andi %and3A_271, %and3A_275 : i1
          %add3A_277 = arith.constant 1 : i32
          %add3A_278 = arith.addi %while3A_146, %add3A_277 : i32
          %select_n3A_279 = arith.select %and3A_276, %add3A_278, %while3A_146 : i32
          %ne3A_280 = arith.cmpi ne, %add3A_155, %add3A_173 : i32
          %or3A_281 = arith.constant false
          %or3A_282 = arith.ori %or3A_281, %ne3A_280 : i1
          %or3A_283 = arith.ori %or3A_282, %eq3A_154 : i1
          %add3A_284 = arith.constant 1 : i32
          %add3A_285 = arith.addi %while3A_144, %add3A_284 : i32
          %select_n3A_286 = arith.select %or3A_283, %add3A_285, %while3A_144 : i32
          %add3A_287 = arith.constant 1 : i32
          %add3A_288 = arith.addi %while3A_147, %add3A_287 : i32
          %select_n3A_289 = arith.constant true
          %select_n3A_290 = arith.select %select_n3A_289, %add3A_288, %while3A_147 : i32
          %eq3A_291 = arith.cmpi eq, %select_n3A_290, %select_n3A : i32
          %select_n3A_292 = arith.constant 0 : i32
          %select_n3A_293 = arith.select %eq3A_291, %select_n3A_292, %select_n3A_290 : i32
          scf.yield %select_n3A_195, %select_n3A_286, %select_n3A_252, %select_n3A_279, %select_n3A_293 : i32, i32, i32, i32, i32
        }
        %sub3A_91 = arith.constant 1 : i32
        %sub3A_92 = arith.subi %while3A_90#4, %sub3A_91 : i32
        %select_n3A_93 = arith.constant true
        %select_n3A_94 = arith.select %select_n3A_93, %sub3A_92, %while3A_90#4 : i32
        %eq3A_95 = arith.constant -1 : i32
        %eq3A_96 = arith.cmpi eq, %select_n3A_94, %eq3A_95 : i32
        %sub3A_97 = arith.constant 1 : i32
        %sub3A_98 = arith.subi %select_n3A, %sub3A_97 : i32
        %select_n3A_99 = arith.select %eq3A_96, %sub3A_98, %select_n3A_94 : i32
        %sub3A_100 = arith.constant 1 : i32
        %sub3A_101 = arith.subi %mul3A_16, %sub3A_100 : i32
        %mul3A_102 = arith.constant 1 : i32
        %mul3A_103 = arith.muli %mul3A_102, %select_n3A : i32
        %eq3A_104 = arith.constant 0 : i32
        %eq3A_105 = arith.cmpi eq, %sub3A_101, %eq3A_104 : i32
        %sub3A_106 = arith.constant 1 : i32
        %sub3A_107 = arith.subi %mul3A_103, %sub3A_106 : i32
        %eq3A_108 = arith.cmpi eq, %sub3A_101, %sub3A_107 : i32
        %add3A_109 = arith.addi %select_n3A_99, %select_n3A_14 : i32
        %sub3A_110 = arith.constant 1 : i32
        %sub3A_111 = arith.subi %select_n3A_99, %sub3A_110 : i32
        %select_n3A_112 = arith.constant true
        %select_n3A_113 = arith.select %select_n3A_112, %sub3A_111, %select_n3A_99 : i32
        %eq3A_114 = arith.constant -1 : i32
        %eq3A_115 = arith.cmpi eq, %select_n3A_113, %eq3A_114 : i32
        %sub3A_116 = arith.constant 1 : i32
        %sub3A_117 = arith.subi %select_n3A, %sub3A_116 : i32
        %select_n3A_118 = arith.select %eq3A_115, %sub3A_117, %select_n3A_113 : i32
        %add3A_119 = arith.addi %select_n3A_118, %select_n3A_14 : i32
        %add3A_120 = arith.constant 1 : i32
        %add3A_121 = arith.addi %select_n3A_99, %add3A_120 : i32
        %select_n3A_122 = arith.constant true
        %select_n3A_123 = arith.select %select_n3A_122, %add3A_121, %select_n3A_99 : i32
        %eq3A_124 = arith.cmpi eq, %select_n3A_123, %select_n3A : i32
        %select_n3A_125 = arith.constant 0 : i32
        %select_n3A_126 = arith.select %eq3A_124, %select_n3A_125, %select_n3A_123 : i32
        %add3A_127 = arith.addi %select_n3A_126, %select_n3A_14 : i32
        %add3A_128 = arith.constant 1 : i32
        %add3A_129 = arith.addi %select_n3A_126, %add3A_128 : i32
        %select_n3A_130 = arith.constant true
        %select_n3A_131 = arith.select %select_n3A_130, %add3A_129, %select_n3A_126 : i32
        %eq3A_132 = arith.cmpi eq, %select_n3A_131, %select_n3A : i32
        %select_n3A_133 = arith.constant 0 : i32
        %select_n3A_134 = arith.select %eq3A_132, %select_n3A_133, %select_n3A_131 : i32
        %add3A_135 = arith.addi %select_n3A_134, %select_n3A_14 : i32
        %convert_element_type3A_136 = arith.extui %eq3A_108 : i1 to i32
        %cond3A_137 = arith.constant 0 : i32
        %cond3A_138 = arith.cmpi ne, %convert_element_type3A_136, %cond3A_137 : i32
        scf.if %cond3A_138 {
        } else {
        }
        %convert_element_type3A_139 = arith.extui %eq3A_108 : i1 to i32
        %cond3A_140 = arith.constant 0 : i32
        %cond3A_141 = arith.cmpi ne, %convert_element_type3A_139, %cond3A_140 : i32
        scf.if %cond3A_141 {
          "tpu.trace_start"() <{level = 10 : i32, message = "ep_finalize"}> : () -> ()
          %rem3A_142 = arith.constant 2 : i32
          %rem3A_143 = arith.remui %while3A_90#3, %rem3A_142 : i32
          %mul3A_144 = arith.constant 256 : i32
          %mul3A_145 = arith.muli %mul3A_144, %add3A_109 : i32
          %dma_wait3A = arith.constant 0 : i32
          %dma_wait3A_146 = arith.constant 0 : i32
          %dma_wait3A_147 = tpu.memref_slice %run_scoped3A_18[%rem3A_143, %dma_wait3A, %dma_wait3A_146] : memref<2x256x128xf32, #tpu.memory_space<vmem>> -> memref<1x256x128xf32, #tpu.memory_space<vmem>>
          %dma_wait3A_148 = tpu.memref_squeeze %dma_wait3A_147 : memref<1x256x128xf32, #tpu.memory_space<vmem>> -> memref<256x128xf32, #tpu.memory_space<vmem>>
          %dma_wait3A_149 = arith.constant 0 : i32
          %dma_wait3A_150 = tpu.memref_slice %arg4[%mul3A_145, %dma_wait3A_149] : memref<34816x128xf32, #tpu.memory_space<hbm>> -> memref<256x128xf32, #tpu.memory_space<hbm>>
          %dma_wait3A_151 = tpu.memref_slice %run_scoped3A_19[%rem3A_143] : memref<2x!tpu.dma_semaphore, #tpu.memory_space<semaphore_mem>> -> memref<1x!tpu.dma_semaphore, #tpu.memory_space<semaphore_mem>>
          %dma_wait3A_152 = tpu.memref_squeeze %dma_wait3A_151 : memref<1x!tpu.dma_semaphore, #tpu.memory_space<semaphore_mem>> -> memref<!tpu.dma_semaphore, #tpu.memory_space<semaphore_mem>>
          %dma_wait3A_153 = arith.constant 0 : i32
          %dma_wait3A_154 = tpu.memref_slice %arg4[%mul3A_145, %dma_wait3A_153] : memref<34816x128xf32, #tpu.memory_space<hbm>> -> memref<256x128xf32, #tpu.memory_space<hbm>>
          %dma_wait3A_155 = arith.constant 0 : i32
          %dma_wait3A_156 = arith.constant 0 : i32
          %dma_wait3A_157 = tpu.memref_slice %run_scoped3A_18[%rem3A_143, %dma_wait3A_155, %dma_wait3A_156] : memref<2x256x128xf32, #tpu.memory_space<vmem>> -> memref<1x256x128xf32, #tpu.memory_space<vmem>>
          %dma_wait3A_158 = tpu.memref_squeeze %dma_wait3A_157 : memref<1x256x128xf32, #tpu.memory_space<vmem>> -> memref<256x128xf32, #tpu.memory_space<vmem>>
          tpu.wait_dma2 semaphore(%dma_wait3A_152 : memref<!tpu.dma_semaphore, #tpu.memory_space<semaphore_mem>>) src(%dma_wait3A_158 : memref<256x128xf32, #tpu.memory_space<vmem>>) dst(%dma_wait3A_154 : memref<256x128xf32, #tpu.memory_space<hbm>>)
          "tpu.trace_stop"() : () -> ()
        } else {
        }
      } else {
      }
      tpu.yield
    }) : () -> ()
    return
  }
}

#map = affine_map<(d0, d1) -> (0, 0)>
module attributes {stable_mosaic.version = 14 : i64} {
  func.func @sk(%arg0: i32, %arg1: i32, %arg2: memref<34816x128xf32, #tpu.memory_space<hbm>>, %arg3: memref<1x34816xi32, #tpu.memory_space<hbm>>, %arg4: memref<32776x128xf32, #tpu.memory_space<hbm>>) attributes {dimension_semantics = [#tpu.dimension_semantics<core_parallel>, #tpu.dimension_semantics<subcore_parallel>], iteration_bounds = array<i64: 2, 16>, scalar_prefetch = 0 : i64, scratch_operands = 0 : i64, tpu.core_type = #tpu.core_type<sc_vector_subcore>, window_params = [{transform_indices = #map}, {transform_indices = #map}, {transform_indices = #map}]} {
    %mul3A = arith.constant 1 : i32
    %mul3A_0 = arith.muli %arg1, %mul3A : i32
    %add3A = arith.constant 0 : i32
    %add3A_1 = arith.addi %add3A, %mul3A_0 : i32
    %mul3A_2 = arith.constant 16 : i32
    %mul3A_3 = arith.muli %arg0, %mul3A_2 : i32
    %add3A_4 = arith.addi %add3A_1, %mul3A_3 : i32
    %lt3A = arith.constant 8 : i32
    %lt3A_5 = arith.cmpi slt, %add3A_4, %lt3A : i32
    %jit3A = arith.constant 5 : i32
    %jit3A_6 = arith.constant 4 : i32
    %select_n3A = arith.select %lt3A_5, %jit3A, %jit3A_6 : i32
    %lt3A_7 = arith.constant 8 : i32
    %lt3A_8 = arith.cmpi slt, %add3A_4, %lt3A_7 : i32
    %mul3A_9 = arith.muli %add3A_4, %select_n3A : i32
    %mul3A_10 = arith.constant 4 : i32
    %mul3A_11 = arith.muli %add3A_4, %mul3A_10 : i32
    %add3A_12 = arith.constant 8 : i32
    %add3A_13 = arith.addi %mul3A_11, %add3A_12 : i32
    %select_n3A_14 = arith.select %lt3A_8, %mul3A_9, %add3A_13 : i32
    %mul3A_15 = arith.constant 1 : i32
    %mul3A_16 = arith.muli %mul3A_15, %select_n3A : i32
    "tpu.region"() ({
      %run_scoped3A = memref.alloca() : memref<2x256x128xf32, #tpu.memory_space<vmem>>
      %run_scoped3A_17 = tpu.sem_alloc : memref<2x!tpu.dma_semaphore, #tpu.memory_space<semaphore_mem>>
      %run_scoped3A_18 = memref.alloca() : memref<2x1x256xi32, #tpu.memory_space<vmem>>
      %run_scoped3A_19 = tpu.sem_alloc : memref<2x!tpu.dma_semaphore, #tpu.memory_space<semaphore_mem>>
      %gt3A = arith.constant 0 : i32
      %gt3A_20 = arith.cmpi sgt, %mul3A_16, %gt3A : i32
      %convert_element_type3A = arith.extui %gt3A_20 : i1 to i32
      %cond3A = arith.constant 0 : i32
      %cond3A_21 = arith.cmpi ne, %convert_element_type3A, %cond3A : i32
      scf.if %cond3A_21 {
        %mul3A_22 = arith.constant 1 : i32
        %mul3A_23 = arith.muli %mul3A_22, %select_n3A : i32
        %sub3A = arith.constant 1 : i32
        %sub3A_24 = arith.subi %mul3A_23, %sub3A : i32
        %eq3A = arith.constant 0 : i32
        %eq3A_25 = arith.cmpi eq, %sub3A_24, %eq3A : i32
        %add3A_26 = arith.constant 0 : i32
        %add3A_27 = arith.addi %add3A_26, %select_n3A_14 : i32
        %select_n3A_28 = arith.constant true
        %select_n3A_29 = arith.constant 0 : i32
        %select_n3A_30 = arith.constant -1 : i32
        %select_n3A_31 = arith.select %select_n3A_28, %select_n3A_30, %select_n3A_29 : i32
        %eq3A_32 = arith.constant -1 : i32
        %eq3A_33 = arith.cmpi eq, %select_n3A_31, %eq3A_32 : i32
        %sub3A_34 = arith.constant 1 : i32
        %sub3A_35 = arith.subi %select_n3A, %sub3A_34 : i32
        %select_n3A_36 = arith.select %eq3A_33, %sub3A_35, %select_n3A_31 : i32
        %add3A_37 = arith.addi %select_n3A_36, %select_n3A_14 : i32
        %select_n3A_38 = arith.constant true
        %select_n3A_39 = arith.constant 0 : i32
        %select_n3A_40 = arith.constant 1 : i32
        %select_n3A_41 = arith.select %select_n3A_38, %select_n3A_40, %select_n3A_39 : i32
        %eq3A_42 = arith.cmpi eq, %select_n3A_41, %select_n3A : i32
        %select_n3A_43 = arith.constant 0 : i32
        %select_n3A_44 = arith.select %eq3A_42, %select_n3A_43, %select_n3A_41 : i32
        %add3A_45 = arith.addi %select_n3A_44, %select_n3A_14 : i32
        %add3A_46 = arith.constant 1 : i32
        %add3A_47 = arith.addi %select_n3A_44, %add3A_46 : i32
        %select_n3A_48 = arith.constant true
        %select_n3A_49 = arith.select %select_n3A_48, %add3A_47, %select_n3A_44 : i32
        %eq3A_50 = arith.cmpi eq, %select_n3A_49, %select_n3A : i32
        %select_n3A_51 = arith.constant 0 : i32
        %select_n3A_52 = arith.select %eq3A_50, %select_n3A_51, %select_n3A_49 : i32
        %add3A_53 = arith.addi %select_n3A_52, %select_n3A_14 : i32
        "tpu.trace_start"() <{level = 10 : i32, message = "ep_initialize_0"}> : () -> ()
        %rem3A = arith.constant 0 : i32
        %rem3A_54 = arith.constant 2 : i32
        %rem3A_55 = arith.remui %rem3A, %rem3A_54 : i32
        %mul3A_56 = arith.constant 256 : i32
        %mul3A_57 = arith.muli %mul3A_56, %add3A_27 : i32
        %dma_start3A = arith.constant 0 : i32
        %dma_start3A_58 = arith.constant 0 : i32
        %dma_start3A_59 = tpu.memref_slice %run_scoped3A[%rem3A_55, %dma_start3A, %dma_start3A_58] : memref<2x256x128xf32, #tpu.memory_space<vmem>> -> memref<1x256x128xf32, #tpu.memory_space<vmem>>
        %dma_start3A_60 = tpu.memref_squeeze %dma_start3A_59 : memref<1x256x128xf32, #tpu.memory_space<vmem>> -> memref<256x128xf32, #tpu.memory_space<vmem>>
        %dma_start3A_61 = arith.constant 0 : i32
        %dma_start3A_62 = tpu.memref_slice %arg2[%mul3A_57, %dma_start3A_61] : memref<34816x128xf32, #tpu.memory_space<hbm>> -> memref<256x128xf32, #tpu.memory_space<hbm>>
        %dma_start3A_63 = tpu.memref_slice %run_scoped3A_17[%rem3A_55] : memref<2x!tpu.dma_semaphore, #tpu.memory_space<semaphore_mem>> -> memref<1x!tpu.dma_semaphore, #tpu.memory_space<semaphore_mem>>
        %dma_start3A_64 = tpu.memref_squeeze %dma_start3A_63 : memref<1x!tpu.dma_semaphore, #tpu.memory_space<semaphore_mem>> -> memref<!tpu.dma_semaphore, #tpu.memory_space<semaphore_mem>>
        %dma_start3A_65 = arith.constant 0 : i32
        %dma_start3A_66 = arith.constant 0 : i32
        %dma_start3A_67 = tpu.memref_slice %run_scoped3A[%rem3A_55, %dma_start3A_65, %dma_start3A_66] : memref<2x256x128xf32, #tpu.memory_space<vmem>> -> memref<1x256x128xf32, #tpu.memory_space<vmem>>
        %dma_start3A_68 = tpu.memref_squeeze %dma_start3A_67 : memref<1x256x128xf32, #tpu.memory_space<vmem>> -> memref<256x128xf32, #tpu.memory_space<vmem>>
        %dma_start3A_69 = arith.constant 0 : i32
        %dma_start3A_70 = tpu.memref_slice %arg2[%mul3A_57, %dma_start3A_69] : memref<34816x128xf32, #tpu.memory_space<hbm>> -> memref<256x128xf32, #tpu.memory_space<hbm>>
        tpu.enqueue_dma source(%dma_start3A_70 : memref<256x128xf32, #tpu.memory_space<hbm>>) target(%dma_start3A_68 : memref<256x128xf32, #tpu.memory_space<vmem>>) target_semaphore(%dma_start3A_64 : memref<!tpu.dma_semaphore, #tpu.memory_space<semaphore_mem>>)
        %add3A_71 = arith.constant 0 : i32
        %add3A_72 = arith.constant 1 : i32
        %add3A_73 = arith.addi %add3A_71, %add3A_72 : i32
        %select_n3A_74 = arith.constant true
        %select_n3A_75 = arith.constant 0 : i32
        %select_n3A_76 = arith.select %select_n3A_74, %add3A_73, %select_n3A_75 : i32
        %rem3A_77 = arith.constant 0 : i32
        %rem3A_78 = arith.constant 2 : i32
        %rem3A_79 = arith.remui %rem3A_77, %rem3A_78 : i32
        %mul3A_80 = arith.constant 256 : i32
        %mul3A_81 = arith.muli %mul3A_80, %add3A_27 : i32
        %dma_start3A_82 = arith.constant 0 : i32
        %dma_start3A_83 = arith.constant 0 : i32
        %dma_start3A_84 = tpu.memref_slice %run_scoped3A_18[%rem3A_79, %dma_start3A_82, %dma_start3A_83] : memref<2x1x256xi32, #tpu.memory_space<vmem>> -> memref<1x1x256xi32, #tpu.memory_space<vmem>>
        %dma_start3A_85 = tpu.memref_squeeze %dma_start3A_84 : memref<1x1x256xi32, #tpu.memory_space<vmem>> -> memref<1x256xi32, #tpu.memory_space<vmem>>
        %dma_start3A_86 = arith.constant 0 : i32
        %dma_start3A_87 = tpu.memref_slice %arg3[%dma_start3A_86, %mul3A_81] : memref<1x34816xi32, #tpu.memory_space<hbm>> -> memref<1x256xi32, #tpu.memory_space<hbm>>
        %dma_start3A_88 = tpu.memref_slice %run_scoped3A_19[%rem3A_79] : memref<2x!tpu.dma_semaphore, #tpu.memory_space<semaphore_mem>> -> memref<1x!tpu.dma_semaphore, #tpu.memory_space<semaphore_mem>>
        %dma_start3A_89 = tpu.memref_squeeze %dma_start3A_88 : memref<1x!tpu.dma_semaphore, #tpu.memory_space<semaphore_mem>> -> memref<!tpu.dma_semaphore, #tpu.memory_space<semaphore_mem>>
        %dma_start3A_90 = arith.constant 0 : i32
        %dma_start3A_91 = arith.constant 0 : i32
        %dma_start3A_92 = tpu.memref_slice %run_scoped3A_18[%rem3A_79, %dma_start3A_90, %dma_start3A_91] : memref<2x1x256xi32, #tpu.memory_space<vmem>> -> memref<1x1x256xi32, #tpu.memory_space<vmem>>
        %dma_start3A_93 = tpu.memref_squeeze %dma_start3A_92 : memref<1x1x256xi32, #tpu.memory_space<vmem>> -> memref<1x256xi32, #tpu.memory_space<vmem>>
        %dma_start3A_94 = arith.constant 0 : i32
        %dma_start3A_95 = tpu.memref_slice %arg3[%dma_start3A_94, %mul3A_81] : memref<1x34816xi32, #tpu.memory_space<hbm>> -> memref<1x256xi32, #tpu.memory_space<hbm>>
        tpu.enqueue_dma source(%dma_start3A_95 : memref<1x256xi32, #tpu.memory_space<hbm>>) target(%dma_start3A_93 : memref<1x256xi32, #tpu.memory_space<vmem>>) target_semaphore(%dma_start3A_89 : memref<!tpu.dma_semaphore, #tpu.memory_space<semaphore_mem>>)
        %add3A_96 = arith.constant 0 : i32
        %add3A_97 = arith.constant 1 : i32
        %add3A_98 = arith.addi %add3A_96, %add3A_97 : i32
        %select_n3A_99 = arith.constant true
        %select_n3A_100 = arith.constant 0 : i32
        %select_n3A_101 = arith.select %select_n3A_99, %add3A_98, %select_n3A_100 : i32
        %while3A = arith.constant 0 : i32
        %while3A_102 = arith.constant 0 : i32
        %while3A_103 = arith.constant 0 : i32
        %while3A_104 = arith.constant 0 : i32
        "tpu.trace_stop"() : () -> ()
        %while3A_105 = arith.subi %mul3A_16, %while3A : i32
        %while3A_106 = arith.addi %while3A, %while3A_105 : i32
        %while3A_107 = arith.constant 1 : i32
        %while3A_108 = arith.divsi %while3A_105, %while3A_107 : i32
        %while3A_109 = arith.muli %while3A_108, %while3A_107 : i32
        %while3A_110 = arith.addi %while3A, %while3A_109 : i32
        %while3A_111 = arith.constant 1 : i32
        %while3A_112:5 = scf.for %while3A_166 = %while3A to %while3A_110 step %while3A_111 iter_args(%while3A_167 = %select_n3A_76, %while3A_168 = %while3A_102, %while3A_169 = %select_n3A_101, %while3A_170 = %while3A_103, %while3A_171 = %while3A_104) -> (i32, i32, i32, i32, i32)  : i32 {
          %mul3A_172 = arith.constant 1 : i32
          %mul3A_173 = arith.muli %mul3A_172, %select_n3A : i32
          %eq3A_174 = arith.constant 0 : i32
          %eq3A_175 = arith.cmpi eq, %while3A_166, %eq3A_174 : i32
          %sub3A_176 = arith.constant 1 : i32
          %sub3A_177 = arith.subi %mul3A_173, %sub3A_176 : i32
          %eq3A_178 = arith.cmpi eq, %while3A_166, %sub3A_177 : i32
          %add3A_179 = arith.addi %while3A_171, %select_n3A_14 : i32
          %sub3A_180 = arith.constant 1 : i32
          %sub3A_181 = arith.subi %while3A_171, %sub3A_180 : i32
          %select_n3A_182 = arith.constant true
          %select_n3A_183 = arith.select %select_n3A_182, %sub3A_181, %while3A_171 : i32
          %eq3A_184 = arith.constant -1 : i32
          %eq3A_185 = arith.cmpi eq, %select_n3A_183, %eq3A_184 : i32
          %sub3A_186 = arith.constant 1 : i32
          %sub3A_187 = arith.subi %select_n3A, %sub3A_186 : i32
          %select_n3A_188 = arith.select %eq3A_185, %sub3A_187, %select_n3A_183 : i32
          %add3A_189 = arith.addi %select_n3A_188, %select_n3A_14 : i32
          %add3A_190 = arith.constant 1 : i32
          %add3A_191 = arith.addi %while3A_171, %add3A_190 : i32
          %select_n3A_192 = arith.constant true
          %select_n3A_193 = arith.select %select_n3A_192, %add3A_191, %while3A_171 : i32
          %eq3A_194 = arith.cmpi eq, %select_n3A_193, %select_n3A : i32
          %select_n3A_195 = arith.constant 0 : i32
          %select_n3A_196 = arith.select %eq3A_194, %select_n3A_195, %select_n3A_193 : i32
          %add3A_197 = arith.addi %select_n3A_196, %select_n3A_14 : i32
          %add3A_198 = arith.constant 1 : i32
          %add3A_199 = arith.addi %select_n3A_196, %add3A_198 : i32
          %select_n3A_200 = arith.constant true
          %select_n3A_201 = arith.select %select_n3A_200, %add3A_199, %select_n3A_196 : i32
          %eq3A_202 = arith.cmpi eq, %select_n3A_201, %select_n3A : i32
          %select_n3A_203 = arith.constant 0 : i32
          %select_n3A_204 = arith.select %eq3A_202, %select_n3A_203, %select_n3A_201 : i32
          %add3A_205 = arith.addi %select_n3A_204, %select_n3A_14 : i32
          %ne3A = arith.cmpi ne, %add3A_179, %add3A_197 : i32
          %or3A = arith.constant false
          %or3A_206 = arith.ori %or3A, %ne3A : i1
          %or3A_207 = arith.constant false
          %or3A_208 = arith.ori %or3A_206, %or3A_207 : i1
          %sub3A_209 = arith.constant 2 : i32
          %sub3A_210 = arith.subi %mul3A_173, %sub3A_209 : i32
          %add3A_211 = arith.constant 1 : i32
          %add3A_212 = arith.addi %sub3A_210, %add3A_211 : i32
          %ge3A = arith.cmpi sge, %while3A_166, %add3A_212 : i32
          %not3A = arith.constant true
          %not3A_213 = arith.xori %ge3A, %not3A : i1
          %and3A = arith.andi %or3A_208, %not3A_213 : i1
          %convert_element_type3A_214 = arith.extui %and3A : i1 to i32
          %cond3A_215 = arith.constant 0 : i32
          %cond3A_216 = arith.cmpi ne, %convert_element_type3A_214, %cond3A_215 : i32
          scf.if %cond3A_216 {
            "tpu.trace_start"() <{level = 10 : i32, message = "ep_copy_in"}> : () -> ()
            %rem3A_329 = arith.constant 2 : i32
            %rem3A_330 = arith.remui %while3A_167, %rem3A_329 : i32
            %mul3A_331 = arith.constant 256 : i32
            %mul3A_332 = arith.muli %mul3A_331, %add3A_197 : i32
            %dma_start3A_333 = arith.constant 0 : i32
            %dma_start3A_334 = arith.constant 0 : i32
            %dma_start3A_335 = tpu.memref_slice %run_scoped3A[%rem3A_330, %dma_start3A_333, %dma_start3A_334] : memref<2x256x128xf32, #tpu.memory_space<vmem>> -> memref<1x256x128xf32, #tpu.memory_space<vmem>>
            %dma_start3A_336 = tpu.memref_squeeze %dma_start3A_335 : memref<1x256x128xf32, #tpu.memory_space<vmem>> -> memref<256x128xf32, #tpu.memory_space<vmem>>
            %dma_start3A_337 = arith.constant 0 : i32
            %dma_start3A_338 = tpu.memref_slice %arg2[%mul3A_332, %dma_start3A_337] : memref<34816x128xf32, #tpu.memory_space<hbm>> -> memref<256x128xf32, #tpu.memory_space<hbm>>
            %dma_start3A_339 = tpu.memref_slice %run_scoped3A_17[%rem3A_330] : memref<2x!tpu.dma_semaphore, #tpu.memory_space<semaphore_mem>> -> memref<1x!tpu.dma_semaphore, #tpu.memory_space<semaphore_mem>>
            %dma_start3A_340 = tpu.memref_squeeze %dma_start3A_339 : memref<1x!tpu.dma_semaphore, #tpu.memory_space<semaphore_mem>> -> memref<!tpu.dma_semaphore, #tpu.memory_space<semaphore_mem>>
            %dma_start3A_341 = arith.constant 0 : i32
            %dma_start3A_342 = arith.constant 0 : i32
            %dma_start3A_343 = tpu.memref_slice %run_scoped3A[%rem3A_330, %dma_start3A_341, %dma_start3A_342] : memref<2x256x128xf32, #tpu.memory_space<vmem>> -> memref<1x256x128xf32, #tpu.memory_space<vmem>>
            %dma_start3A_344 = tpu.memref_squeeze %dma_start3A_343 : memref<1x256x128xf32, #tpu.memory_space<vmem>> -> memref<256x128xf32, #tpu.memory_space<vmem>>
            %dma_start3A_345 = arith.constant 0 : i32
            %dma_start3A_346 = tpu.memref_slice %arg2[%mul3A_332, %dma_start3A_345] : memref<34816x128xf32, #tpu.memory_space<hbm>> -> memref<256x128xf32, #tpu.memory_space<hbm>>
            tpu.enqueue_dma source(%dma_start3A_346 : memref<256x128xf32, #tpu.memory_space<hbm>>) target(%dma_start3A_344 : memref<256x128xf32, #tpu.memory_space<vmem>>) target_semaphore(%dma_start3A_340 : memref<!tpu.dma_semaphore, #tpu.memory_space<semaphore_mem>>)
            "tpu.trace_stop"() : () -> ()
          } else {
          }
          %and3A_217 = arith.constant true
          %and3A_218 = arith.andi %and3A, %and3A_217 : i1
          %add3A_219 = arith.constant 1 : i32
          %add3A_220 = arith.addi %while3A_167, %add3A_219 : i32
          %select_n3A_221 = arith.select %and3A_218, %add3A_220, %while3A_167 : i32
          %ne3A_222 = arith.cmpi ne, %add3A_179, %add3A_197 : i32
          %or3A_223 = arith.constant false
          %or3A_224 = arith.ori %or3A_223, %ne3A_222 : i1
          %sub3A_225 = arith.constant 2 : i32
          %sub3A_226 = arith.subi %mul3A_173, %sub3A_225 : i32
          %add3A_227 = arith.constant 1 : i32
          %add3A_228 = arith.addi %sub3A_226, %add3A_227 : i32
          %ge3A_229 = arith.cmpi sge, %while3A_166, %add3A_228 : i32
          %not3A_230 = arith.constant true
          %not3A_231 = arith.xori %ge3A_229, %not3A_230 : i1
          %and3A_232 = arith.andi %or3A_224, %not3A_231 : i1
          %convert_element_type3A_233 = arith.extui %and3A_232 : i1 to i32
          %cond3A_234 = arith.constant 0 : i32
          %cond3A_235 = arith.cmpi ne, %convert_element_type3A_233, %cond3A_234 : i32
          scf.if %cond3A_235 {
            "tpu.trace_start"() <{level = 10 : i32, message = "ep_copy_in"}> : () -> ()
            %rem3A_329 = arith.constant 2 : i32
            %rem3A_330 = arith.remui %while3A_169, %rem3A_329 : i32
            %mul3A_331 = arith.constant 256 : i32
            %mul3A_332 = arith.muli %mul3A_331, %add3A_197 : i32
            %dma_start3A_333 = arith.constant 0 : i32
            %dma_start3A_334 = arith.constant 0 : i32
            %dma_start3A_335 = tpu.memref_slice %run_scoped3A_18[%rem3A_330, %dma_start3A_333, %dma_start3A_334] : memref<2x1x256xi32, #tpu.memory_space<vmem>> -> memref<1x1x256xi32, #tpu.memory_space<vmem>>
            %dma_start3A_336 = tpu.memref_squeeze %dma_start3A_335 : memref<1x1x256xi32, #tpu.memory_space<vmem>> -> memref<1x256xi32, #tpu.memory_space<vmem>>
            %dma_start3A_337 = arith.constant 0 : i32
            %dma_start3A_338 = tpu.memref_slice %arg3[%dma_start3A_337, %mul3A_332] : memref<1x34816xi32, #tpu.memory_space<hbm>> -> memref<1x256xi32, #tpu.memory_space<hbm>>
            %dma_start3A_339 = tpu.memref_slice %run_scoped3A_19[%rem3A_330] : memref<2x!tpu.dma_semaphore, #tpu.memory_space<semaphore_mem>> -> memref<1x!tpu.dma_semaphore, #tpu.memory_space<semaphore_mem>>
            %dma_start3A_340 = tpu.memref_squeeze %dma_start3A_339 : memref<1x!tpu.dma_semaphore, #tpu.memory_space<semaphore_mem>> -> memref<!tpu.dma_semaphore, #tpu.memory_space<semaphore_mem>>
            %dma_start3A_341 = arith.constant 0 : i32
            %dma_start3A_342 = arith.constant 0 : i32
            %dma_start3A_343 = tpu.memref_slice %run_scoped3A_18[%rem3A_330, %dma_start3A_341, %dma_start3A_342] : memref<2x1x256xi32, #tpu.memory_space<vmem>> -> memref<1x1x256xi32, #tpu.memory_space<vmem>>
            %dma_start3A_344 = tpu.memref_squeeze %dma_start3A_343 : memref<1x1x256xi32, #tpu.memory_space<vmem>> -> memref<1x256xi32, #tpu.memory_space<vmem>>
            %dma_start3A_345 = arith.constant 0 : i32
            %dma_start3A_346 = tpu.memref_slice %arg3[%dma_start3A_345, %mul3A_332] : memref<1x34816xi32, #tpu.memory_space<hbm>> -> memref<1x256xi32, #tpu.memory_space<hbm>>
            tpu.enqueue_dma source(%dma_start3A_346 : memref<1x256xi32, #tpu.memory_space<hbm>>) target(%dma_start3A_344 : memref<1x256xi32, #tpu.memory_space<vmem>>) target_semaphore(%dma_start3A_340 : memref<!tpu.dma_semaphore, #tpu.memory_space<semaphore_mem>>)
            "tpu.trace_stop"() : () -> ()
          } else {
          }
          %and3A_236 = arith.constant true
          %and3A_237 = arith.andi %and3A_232, %and3A_236 : i1
          %add3A_238 = arith.constant 1 : i32
          %add3A_239 = arith.addi %while3A_169, %add3A_238 : i32
          %select_n3A_240 = arith.select %and3A_237, %add3A_239, %while3A_169 : i32
          %ne3A_241 = arith.cmpi ne, %add3A_179, %add3A_189 : i32
          %or3A_242 = arith.constant false
          %or3A_243 = arith.ori %or3A_242, %ne3A_241 : i1
          %or3A_244 = arith.constant false
          %or3A_245 = arith.ori %or3A_243, %or3A_244 : i1
          %or3A_246 = arith.ori %or3A_245, %eq3A_175 : i1
          %convert_element_type3A_247 = arith.extui %or3A_246 : i1 to i32
          %cond3A_248 = arith.constant 0 : i32
          %cond3A_249 = arith.cmpi ne, %convert_element_type3A_247, %cond3A_248 : i32
          scf.if %cond3A_249 {
            "tpu.trace_start"() <{level = 10 : i32, message = "ep_wait_in"}> : () -> ()
            %mul3A_329 = arith.constant 256 : i32
            %mul3A_330 = arith.muli %mul3A_329, %add3A_179 : i32
            %rem3A_331 = arith.constant 2 : i32
            %rem3A_332 = arith.remui %while3A_168, %rem3A_331 : i32
            %dma_wait3A = arith.constant 0 : i32
            %dma_wait3A_333 = arith.constant 0 : i32
            %dma_wait3A_334 = tpu.memref_slice %run_scoped3A[%rem3A_332, %dma_wait3A, %dma_wait3A_333] : memref<2x256x128xf32, #tpu.memory_space<vmem>> -> memref<1x256x128xf32, #tpu.memory_space<vmem>>
            %dma_wait3A_335 = tpu.memref_squeeze %dma_wait3A_334 : memref<1x256x128xf32, #tpu.memory_space<vmem>> -> memref<256x128xf32, #tpu.memory_space<vmem>>
            %dma_wait3A_336 = arith.constant 0 : i32
            %dma_wait3A_337 = tpu.memref_slice %arg2[%mul3A_330, %dma_wait3A_336] : memref<34816x128xf32, #tpu.memory_space<hbm>> -> memref<256x128xf32, #tpu.memory_space<hbm>>
            %dma_wait3A_338 = tpu.memref_slice %run_scoped3A_17[%rem3A_332] : memref<2x!tpu.dma_semaphore, #tpu.memory_space<semaphore_mem>> -> memref<1x!tpu.dma_semaphore, #tpu.memory_space<semaphore_mem>>
            %dma_wait3A_339 = tpu.memref_squeeze %dma_wait3A_338 : memref<1x!tpu.dma_semaphore, #tpu.memory_space<semaphore_mem>> -> memref<!tpu.dma_semaphore, #tpu.memory_space<semaphore_mem>>
            %dma_wait3A_340 = arith.constant 0 : i32
            %dma_wait3A_341 = arith.constant 0 : i32
            %dma_wait3A_342 = tpu.memref_slice %run_scoped3A[%rem3A_332, %dma_wait3A_340, %dma_wait3A_341] : memref<2x256x128xf32, #tpu.memory_space<vmem>> -> memref<1x256x128xf32, #tpu.memory_space<vmem>>
            %dma_wait3A_343 = tpu.memref_squeeze %dma_wait3A_342 : memref<1x256x128xf32, #tpu.memory_space<vmem>> -> memref<256x128xf32, #tpu.memory_space<vmem>>
            %dma_wait3A_344 = arith.constant 0 : i32
            %dma_wait3A_345 = tpu.memref_slice %arg2[%mul3A_330, %dma_wait3A_344] : memref<34816x128xf32, #tpu.memory_space<hbm>> -> memref<256x128xf32, #tpu.memory_space<hbm>>
            tpu.wait_dma2 semaphore(%dma_wait3A_339 : memref<!tpu.dma_semaphore, #tpu.memory_space<semaphore_mem>>) src(%dma_wait3A_345 : memref<256x128xf32, #tpu.memory_space<hbm>>) dst(%dma_wait3A_343 : memref<256x128xf32, #tpu.memory_space<vmem>>)
            "tpu.trace_stop"() : () -> ()
          } else {
          }
          %ne3A_250 = arith.cmpi ne, %add3A_179, %add3A_189 : i32
          %or3A_251 = arith.constant false
          %or3A_252 = arith.ori %or3A_251, %ne3A_250 : i1
          %or3A_253 = arith.ori %or3A_252, %eq3A_175 : i1
          %convert_element_type3A_254 = arith.extui %or3A_253 : i1 to i32
          %cond3A_255 = arith.constant 0 : i32
          %cond3A_256 = arith.cmpi ne, %convert_element_type3A_254, %cond3A_255 : i32
          scf.if %cond3A_256 {
            "tpu.trace_start"() <{level = 10 : i32, message = "ep_wait_in"}> : () -> ()
            %mul3A_329 = arith.constant 256 : i32
            %mul3A_330 = arith.muli %mul3A_329, %add3A_179 : i32
            %rem3A_331 = arith.constant 2 : i32
            %rem3A_332 = arith.remui %while3A_170, %rem3A_331 : i32
            %dma_wait3A = arith.constant 0 : i32
            %dma_wait3A_333 = arith.constant 0 : i32
            %dma_wait3A_334 = tpu.memref_slice %run_scoped3A_18[%rem3A_332, %dma_wait3A, %dma_wait3A_333] : memref<2x1x256xi32, #tpu.memory_space<vmem>> -> memref<1x1x256xi32, #tpu.memory_space<vmem>>
            %dma_wait3A_335 = tpu.memref_squeeze %dma_wait3A_334 : memref<1x1x256xi32, #tpu.memory_space<vmem>> -> memref<1x256xi32, #tpu.memory_space<vmem>>
            %dma_wait3A_336 = arith.constant 0 : i32
            %dma_wait3A_337 = tpu.memref_slice %arg3[%dma_wait3A_336, %mul3A_330] : memref<1x34816xi32, #tpu.memory_space<hbm>> -> memref<1x256xi32, #tpu.memory_space<hbm>>
            %dma_wait3A_338 = tpu.memref_slice %run_scoped3A_19[%rem3A_332] : memref<2x!tpu.dma_semaphore, #tpu.memory_space<semaphore_mem>> -> memref<1x!tpu.dma_semaphore, #tpu.memory_space<semaphore_mem>>
            %dma_wait3A_339 = tpu.memref_squeeze %dma_wait3A_338 : memref<1x!tpu.dma_semaphore, #tpu.memory_space<semaphore_mem>> -> memref<!tpu.dma_semaphore, #tpu.memory_space<semaphore_mem>>
            %dma_wait3A_340 = arith.constant 0 : i32
            %dma_wait3A_341 = arith.constant 0 : i32
            %dma_wait3A_342 = tpu.memref_slice %run_scoped3A_18[%rem3A_332, %dma_wait3A_340, %dma_wait3A_341] : memref<2x1x256xi32, #tpu.memory_space<vmem>> -> memref<1x1x256xi32, #tpu.memory_space<vmem>>
            %dma_wait3A_343 = tpu.memref_squeeze %dma_wait3A_342 : memref<1x1x256xi32, #tpu.memory_space<vmem>> -> memref<1x256xi32, #tpu.memory_space<vmem>>
            %dma_wait3A_344 = arith.constant 0 : i32
            %dma_wait3A_345 = tpu.memref_slice %arg3[%dma_wait3A_344, %mul3A_330] : memref<1x34816xi32, #tpu.memory_space<hbm>> -> memref<1x256xi32, #tpu.memory_space<hbm>>
            tpu.wait_dma2 semaphore(%dma_wait3A_339 : memref<!tpu.dma_semaphore, #tpu.memory_space<semaphore_mem>>) src(%dma_wait3A_345 : memref<1x256xi32, #tpu.memory_space<hbm>>) dst(%dma_wait3A_343 : memref<1x256xi32, #tpu.memory_space<vmem>>)
            "tpu.trace_stop"() : () -> ()
          } else {
          }
          %rem3A_257 = arith.constant 2 : i32
          %rem3A_258 = arith.remui %while3A_168, %rem3A_257 : i32
          %rem3A_259 = arith.constant 2 : i32
          %rem3A_260 = arith.remui %while3A_170, %rem3A_259 : i32
          %run_scoped3A_261 = arith.constant 0 : i32
          "tpu.trace_start"() <{level = 10 : i32, message = "ep_run_kernel"}> : () -> ()
          "tpu.region"() ({
            %run_scoped3A_329 = tpu.sem_alloc : memref<!tpu.dma_semaphore, #tpu.memory_space<semaphore_mem>>
            %dma_start3A_330 = arith.constant 0 : i32
            %dma_start3A_331 = arith.constant 0 : i32
            %dma_start3A_332 = tpu.memref_slice %run_scoped3A[%rem3A_258, %dma_start3A_330, %dma_start3A_331] : memref<2x256x128xf32, #tpu.memory_space<vmem>> -> memref<1x256x128xf32, #tpu.memory_space<vmem>>
            %dma_start3A_333 = tpu.memref_squeeze %dma_start3A_332 : memref<1x256x128xf32, #tpu.memory_space<vmem>> -> memref<256x128xf32, #tpu.memory_space<vmem>>
            %dma_start3A_334 = arith.constant 0 : i32
            %dma_start3A_335 = arith.constant 0 : i32
            %dma_start3A_336 = tpu.memref_slice %run_scoped3A_18[%rem3A_260, %dma_start3A_334, %dma_start3A_335] : memref<2x1x256xi32, #tpu.memory_space<vmem>> -> memref<1x1x256xi32, #tpu.memory_space<vmem>>
            %dma_start3A_337 = tpu.memref_squeeze %dma_start3A_336 : memref<1x1x256xi32, #tpu.memory_space<vmem>> -> memref<1x256xi32, #tpu.memory_space<vmem>>
            %dma_start3A_338 = arith.constant 0 : i32
            %dma_start3A_339 = tpu.memref_slice %dma_start3A_337[%run_scoped3A_261, %dma_start3A_338] : memref<1x256xi32, #tpu.memory_space<vmem>> -> memref<1x256xi32, #tpu.memory_space<vmem>>
            %dma_start3A_340 = tpu.memref_squeeze %dma_start3A_339 : memref<1x256xi32, #tpu.memory_space<vmem>> -> memref<256xi32, #tpu.memory_space<vmem>>
            %dma_start3A_341 = arith.constant 0 : i32
            %dma_start3A_342 = arith.constant 0 : i32
            %dma_start3A_343 = tpu.memref_slice %arg4[%dma_start3A_341, %dma_start3A_342] : memref<32776x128xf32, #tpu.memory_space<hbm>> -> memref<32776x128xf32, #tpu.memory_space<hbm>>
            tpu.enqueue_indirect_dma source(%dma_start3A_333 : memref<256x128xf32, #tpu.memory_space<vmem>>) target(%dma_start3A_343 : memref<32776x128xf32, #tpu.memory_space<hbm>>) offsets(%dma_start3A_340 : memref<256xi32, #tpu.memory_space<vmem>>) semaphore(%run_scoped3A_329 : memref<!tpu.dma_semaphore, #tpu.memory_space<semaphore_mem>>)
            %dma_wait3A = arith.constant 0 : i32
            %dma_wait3A_344 = arith.constant 0 : i32
            %dma_wait3A_345 = tpu.memref_slice %run_scoped3A[%rem3A_258, %dma_wait3A, %dma_wait3A_344] : memref<2x256x128xf32, #tpu.memory_space<vmem>> -> memref<1x256x128xf32, #tpu.memory_space<vmem>>
            %dma_wait3A_346 = tpu.memref_squeeze %dma_wait3A_345 : memref<1x256x128xf32, #tpu.memory_space<vmem>> -> memref<256x128xf32, #tpu.memory_space<vmem>>
            %dma_wait3A_347 = arith.constant 0 : i32
            %dma_wait3A_348 = arith.constant 0 : i32
            %dma_wait3A_349 = tpu.memref_slice %run_scoped3A_18[%rem3A_260, %dma_wait3A_347, %dma_wait3A_348] : memref<2x1x256xi32, #tpu.memory_space<vmem>> -> memref<1x1x256xi32, #tpu.memory_space<vmem>>
            %dma_wait3A_350 = tpu.memref_squeeze %dma_wait3A_349 : memref<1x1x256xi32, #tpu.memory_space<vmem>> -> memref<1x256xi32, #tpu.memory_space<vmem>>
            %dma_wait3A_351 = arith.constant 0 : i32
            %dma_wait3A_352 = tpu.memref_slice %dma_wait3A_350[%run_scoped3A_261, %dma_wait3A_351] : memref<1x256xi32, #tpu.memory_space<vmem>> -> memref<1x256xi32, #tpu.memory_space<vmem>>
            %dma_wait3A_353 = tpu.memref_squeeze %dma_wait3A_352 : memref<1x256xi32, #tpu.memory_space<vmem>> -> memref<256xi32, #tpu.memory_space<vmem>>
            %dma_wait3A_354 = arith.constant 0 : i32
            %dma_wait3A_355 = arith.constant 0 : i32
            %dma_wait3A_356 = tpu.memref_slice %arg4[%dma_wait3A_354, %dma_wait3A_355] : memref<32776x128xf32, #tpu.memory_space<hbm>> -> memref<32776x128xf32, #tpu.memory_space<hbm>>
            tpu.wait_indirect_dma semaphore(%run_scoped3A_329 : memref<!tpu.dma_semaphore, #tpu.memory_space<semaphore_mem>>) src(%dma_wait3A_346 : memref<256x128xf32, #tpu.memory_space<vmem>>) dst(%dma_wait3A_356 : memref<32776x128xf32, #tpu.memory_space<hbm>>)
            tpu.yield
          }) : () -> ()
          "tpu.trace_stop"() : () -> ()
          %ne3A_262 = arith.cmpi ne, %add3A_179, %add3A_197 : i32
          %or3A_263 = arith.constant false
          %or3A_264 = arith.ori %or3A_263, %ne3A_262 : i1
          %or3A_265 = arith.constant false
          %or3A_266 = arith.ori %or3A_264, %or3A_265 : i1
          %or3A_267 = arith.ori %or3A_266, %eq3A_178 : i1
          %convert_element_type3A_268 = arith.extui %or3A_267 : i1 to i32
          %cond3A_269 = arith.constant 0 : i32
          %cond3A_270 = arith.cmpi ne, %convert_element_type3A_268, %cond3A_269 : i32
          scf.if %cond3A_270 {
          } else {
          }
          %and3A_271 = arith.constant false
          %and3A_272 = arith.andi %or3A_267, %and3A_271 : i1
          %ne3A_273 = arith.cmpi ne, %add3A_179, %add3A_197 : i32
          %or3A_274 = arith.constant false
          %or3A_275 = arith.ori %or3A_274, %ne3A_273 : i1
          %or3A_276 = arith.ori %or3A_275, %eq3A_178 : i1
          %convert_element_type3A_277 = arith.extui %or3A_276 : i1 to i32
          %cond3A_278 = arith.constant 0 : i32
          %cond3A_279 = arith.cmpi ne, %convert_element_type3A_277, %cond3A_278 : i32
          scf.if %cond3A_279 {
          } else {
          }
          %and3A_280 = arith.constant false
          %and3A_281 = arith.andi %or3A_276, %and3A_280 : i1
          %ne3A_282 = arith.cmpi ne, %add3A_179, %add3A_189 : i32
          %or3A_283 = arith.constant false
          %or3A_284 = arith.ori %or3A_283, %ne3A_282 : i1
          %or3A_285 = arith.constant false
          %or3A_286 = arith.ori %or3A_284, %or3A_285 : i1
          %not3A_287 = arith.constant true
          %not3A_288 = arith.xori %eq3A_175, %not3A_287 : i1
          %and3A_289 = arith.andi %or3A_286, %not3A_288 : i1
          %convert_element_type3A_290 = arith.extui %and3A_289 : i1 to i32
          %cond3A_291 = arith.constant 0 : i32
          %cond3A_292 = arith.cmpi ne, %convert_element_type3A_290, %cond3A_291 : i32
          scf.if %cond3A_292 {
          } else {
          }
          %and3A_293 = arith.constant false
          %and3A_294 = arith.andi %and3A_289, %and3A_293 : i1
          %ne3A_295 = arith.cmpi ne, %add3A_179, %add3A_189 : i32
          %or3A_296 = arith.constant false
          %or3A_297 = arith.ori %or3A_296, %ne3A_295 : i1
          %not3A_298 = arith.constant true
          %not3A_299 = arith.xori %eq3A_175, %not3A_298 : i1
          %and3A_300 = arith.andi %or3A_297, %not3A_299 : i1
          %convert_element_type3A_301 = arith.extui %and3A_300 : i1 to i32
          %cond3A_302 = arith.constant 0 : i32
          %cond3A_303 = arith.cmpi ne, %convert_element_type3A_301, %cond3A_302 : i32
          scf.if %cond3A_303 {
          } else {
          }
          %and3A_304 = arith.constant false
          %and3A_305 = arith.andi %and3A_300, %and3A_304 : i1
          %ne3A_306 = arith.cmpi ne, %add3A_179, %add3A_197 : i32
          %or3A_307 = arith.constant false
          %or3A_308 = arith.ori %or3A_307, %ne3A_306 : i1
          %or3A_309 = arith.constant false
          %or3A_310 = arith.ori %or3A_308, %or3A_309 : i1
          %or3A_311 = arith.ori %or3A_310, %eq3A_178 : i1
          %add3A_312 = arith.constant 1 : i32
          %add3A_313 = arith.addi %while3A_168, %add3A_312 : i32
          %select_n3A_314 = arith.select %or3A_311, %add3A_313, %while3A_168 : i32
          %ne3A_315 = arith.cmpi ne, %add3A_179, %add3A_197 : i32
          %or3A_316 = arith.constant false
          %or3A_317 = arith.ori %or3A_316, %ne3A_315 : i1
          %or3A_318 = arith.ori %or3A_317, %eq3A_178 : i1
          %add3A_319 = arith.constant 1 : i32
          %add3A_320 = arith.addi %while3A_170, %add3A_319 : i32
          %select_n3A_321 = arith.select %or3A_318, %add3A_320, %while3A_170 : i32
          %add3A_322 = arith.constant 1 : i32
          %add3A_323 = arith.addi %while3A_171, %add3A_322 : i32
          %select_n3A_324 = arith.constant true
          %select_n3A_325 = arith.select %select_n3A_324, %add3A_323, %while3A_171 : i32
          %eq3A_326 = arith.cmpi eq, %select_n3A_325, %select_n3A : i32
          %select_n3A_327 = arith.constant 0 : i32
          %select_n3A_328 = arith.select %eq3A_326, %select_n3A_327, %select_n3A_325 : i32
          scf.yield %select_n3A_221, %select_n3A_314, %select_n3A_240, %select_n3A_321, %select_n3A_328 : i32, i32, i32, i32, i32
        }
        %while3A_113 = arith.constant 1 : i32
        %while3A_114:5 = scf.for %while3A_166 = %while3A_110 to %while3A_106 step %while3A_113 iter_args(%while3A_167 = %while3A_112#0, %while3A_168 = %while3A_112#1, %while3A_169 = %while3A_112#2, %while3A_170 = %while3A_112#3, %while3A_171 = %while3A_112#4) -> (i32, i32, i32, i32, i32)  : i32 {
          %mul3A_172 = arith.constant 1 : i32
          %mul3A_173 = arith.muli %mul3A_172, %select_n3A : i32
          %eq3A_174 = arith.constant 0 : i32
          %eq3A_175 = arith.cmpi eq, %while3A_166, %eq3A_174 : i32
          %sub3A_176 = arith.constant 1 : i32
          %sub3A_177 = arith.subi %mul3A_173, %sub3A_176 : i32
          %eq3A_178 = arith.cmpi eq, %while3A_166, %sub3A_177 : i32
          %add3A_179 = arith.addi %while3A_171, %select_n3A_14 : i32
          %sub3A_180 = arith.constant 1 : i32
          %sub3A_181 = arith.subi %while3A_171, %sub3A_180 : i32
          %select_n3A_182 = arith.constant true
          %select_n3A_183 = arith.select %select_n3A_182, %sub3A_181, %while3A_171 : i32
          %eq3A_184 = arith.constant -1 : i32
          %eq3A_185 = arith.cmpi eq, %select_n3A_183, %eq3A_184 : i32
          %sub3A_186 = arith.constant 1 : i32
          %sub3A_187 = arith.subi %select_n3A, %sub3A_186 : i32
          %select_n3A_188 = arith.select %eq3A_185, %sub3A_187, %select_n3A_183 : i32
          %add3A_189 = arith.addi %select_n3A_188, %select_n3A_14 : i32
          %add3A_190 = arith.constant 1 : i32
          %add3A_191 = arith.addi %while3A_171, %add3A_190 : i32
          %select_n3A_192 = arith.constant true
          %select_n3A_193 = arith.select %select_n3A_192, %add3A_191, %while3A_171 : i32
          %eq3A_194 = arith.cmpi eq, %select_n3A_193, %select_n3A : i32
          %select_n3A_195 = arith.constant 0 : i32
          %select_n3A_196 = arith.select %eq3A_194, %select_n3A_195, %select_n3A_193 : i32
          %add3A_197 = arith.addi %select_n3A_196, %select_n3A_14 : i32
          %add3A_198 = arith.constant 1 : i32
          %add3A_199 = arith.addi %select_n3A_196, %add3A_198 : i32
          %select_n3A_200 = arith.constant true
          %select_n3A_201 = arith.select %select_n3A_200, %add3A_199, %select_n3A_196 : i32
          %eq3A_202 = arith.cmpi eq, %select_n3A_201, %select_n3A : i32
          %select_n3A_203 = arith.constant 0 : i32
          %select_n3A_204 = arith.select %eq3A_202, %select_n3A_203, %select_n3A_201 : i32
          %add3A_205 = arith.addi %select_n3A_204, %select_n3A_14 : i32
          %ne3A = arith.cmpi ne, %add3A_179, %add3A_197 : i32
          %or3A = arith.constant false
          %or3A_206 = arith.ori %or3A, %ne3A : i1
          %or3A_207 = arith.constant false
          %or3A_208 = arith.ori %or3A_206, %or3A_207 : i1
          %sub3A_209 = arith.constant 2 : i32
          %sub3A_210 = arith.subi %mul3A_173, %sub3A_209 : i32
          %add3A_211 = arith.constant 1 : i32
          %add3A_212 = arith.addi %sub3A_210, %add3A_211 : i32
          %ge3A = arith.cmpi sge, %while3A_166, %add3A_212 : i32
          %not3A = arith.constant true
          %not3A_213 = arith.xori %ge3A, %not3A : i1
          %and3A = arith.andi %or3A_208, %not3A_213 : i1
          %convert_element_type3A_214 = arith.extui %and3A : i1 to i32
          %cond3A_215 = arith.constant 0 : i32
          %cond3A_216 = arith.cmpi ne, %convert_element_type3A_214, %cond3A_215 : i32
          scf.if %cond3A_216 {
            "tpu.trace_start"() <{level = 10 : i32, message = "ep_copy_in"}> : () -> ()
            %rem3A_329 = arith.constant 2 : i32
            %rem3A_330 = arith.remui %while3A_167, %rem3A_329 : i32
            %mul3A_331 = arith.constant 256 : i32
            %mul3A_332 = arith.muli %mul3A_331, %add3A_197 : i32
            %dma_start3A_333 = arith.constant 0 : i32
            %dma_start3A_334 = arith.constant 0 : i32
            %dma_start3A_335 = tpu.memref_slice %run_scoped3A[%rem3A_330, %dma_start3A_333, %dma_start3A_334] : memref<2x256x128xf32, #tpu.memory_space<vmem>> -> memref<1x256x128xf32, #tpu.memory_space<vmem>>
            %dma_start3A_336 = tpu.memref_squeeze %dma_start3A_335 : memref<1x256x128xf32, #tpu.memory_space<vmem>> -> memref<256x128xf32, #tpu.memory_space<vmem>>
            %dma_start3A_337 = arith.constant 0 : i32
            %dma_start3A_338 = tpu.memref_slice %arg2[%mul3A_332, %dma_start3A_337] : memref<34816x128xf32, #tpu.memory_space<hbm>> -> memref<256x128xf32, #tpu.memory_space<hbm>>
            %dma_start3A_339 = tpu.memref_slice %run_scoped3A_17[%rem3A_330] : memref<2x!tpu.dma_semaphore, #tpu.memory_space<semaphore_mem>> -> memref<1x!tpu.dma_semaphore, #tpu.memory_space<semaphore_mem>>
            %dma_start3A_340 = tpu.memref_squeeze %dma_start3A_339 : memref<1x!tpu.dma_semaphore, #tpu.memory_space<semaphore_mem>> -> memref<!tpu.dma_semaphore, #tpu.memory_space<semaphore_mem>>
            %dma_start3A_341 = arith.constant 0 : i32
            %dma_start3A_342 = arith.constant 0 : i32
            %dma_start3A_343 = tpu.memref_slice %run_scoped3A[%rem3A_330, %dma_start3A_341, %dma_start3A_342] : memref<2x256x128xf32, #tpu.memory_space<vmem>> -> memref<1x256x128xf32, #tpu.memory_space<vmem>>
            %dma_start3A_344 = tpu.memref_squeeze %dma_start3A_343 : memref<1x256x128xf32, #tpu.memory_space<vmem>> -> memref<256x128xf32, #tpu.memory_space<vmem>>
            %dma_start3A_345 = arith.constant 0 : i32
            %dma_start3A_346 = tpu.memref_slice %arg2[%mul3A_332, %dma_start3A_345] : memref<34816x128xf32, #tpu.memory_space<hbm>> -> memref<256x128xf32, #tpu.memory_space<hbm>>
            tpu.enqueue_dma source(%dma_start3A_346 : memref<256x128xf32, #tpu.memory_space<hbm>>) target(%dma_start3A_344 : memref<256x128xf32, #tpu.memory_space<vmem>>) target_semaphore(%dma_start3A_340 : memref<!tpu.dma_semaphore, #tpu.memory_space<semaphore_mem>>)
            "tpu.trace_stop"() : () -> ()
          } else {
          }
          %and3A_217 = arith.constant true
          %and3A_218 = arith.andi %and3A, %and3A_217 : i1
          %add3A_219 = arith.constant 1 : i32
          %add3A_220 = arith.addi %while3A_167, %add3A_219 : i32
          %select_n3A_221 = arith.select %and3A_218, %add3A_220, %while3A_167 : i32
          %ne3A_222 = arith.cmpi ne, %add3A_179, %add3A_197 : i32
          %or3A_223 = arith.constant false
          %or3A_224 = arith.ori %or3A_223, %ne3A_222 : i1
          %sub3A_225 = arith.constant 2 : i32
          %sub3A_226 = arith.subi %mul3A_173, %sub3A_225 : i32
          %add3A_227 = arith.constant 1 : i32
          %add3A_228 = arith.addi %sub3A_226, %add3A_227 : i32
          %ge3A_229 = arith.cmpi sge, %while3A_166, %add3A_228 : i32
          %not3A_230 = arith.constant true
          %not3A_231 = arith.xori %ge3A_229, %not3A_230 : i1
          %and3A_232 = arith.andi %or3A_224, %not3A_231 : i1
          %convert_element_type3A_233 = arith.extui %and3A_232 : i1 to i32
          %cond3A_234 = arith.constant 0 : i32
          %cond3A_235 = arith.cmpi ne, %convert_element_type3A_233, %cond3A_234 : i32
          scf.if %cond3A_235 {
            "tpu.trace_start"() <{level = 10 : i32, message = "ep_copy_in"}> : () -> ()
            %rem3A_329 = arith.constant 2 : i32
            %rem3A_330 = arith.remui %while3A_169, %rem3A_329 : i32
            %mul3A_331 = arith.constant 256 : i32
            %mul3A_332 = arith.muli %mul3A_331, %add3A_197 : i32
            %dma_start3A_333 = arith.constant 0 : i32
            %dma_start3A_334 = arith.constant 0 : i32
            %dma_start3A_335 = tpu.memref_slice %run_scoped3A_18[%rem3A_330, %dma_start3A_333, %dma_start3A_334] : memref<2x1x256xi32, #tpu.memory_space<vmem>> -> memref<1x1x256xi32, #tpu.memory_space<vmem>>
            %dma_start3A_336 = tpu.memref_squeeze %dma_start3A_335 : memref<1x1x256xi32, #tpu.memory_space<vmem>> -> memref<1x256xi32, #tpu.memory_space<vmem>>
            %dma_start3A_337 = arith.constant 0 : i32
            %dma_start3A_338 = tpu.memref_slice %arg3[%dma_start3A_337, %mul3A_332] : memref<1x34816xi32, #tpu.memory_space<hbm>> -> memref<1x256xi32, #tpu.memory_space<hbm>>
            %dma_start3A_339 = tpu.memref_slice %run_scoped3A_19[%rem3A_330] : memref<2x!tpu.dma_semaphore, #tpu.memory_space<semaphore_mem>> -> memref<1x!tpu.dma_semaphore, #tpu.memory_space<semaphore_mem>>
            %dma_start3A_340 = tpu.memref_squeeze %dma_start3A_339 : memref<1x!tpu.dma_semaphore, #tpu.memory_space<semaphore_mem>> -> memref<!tpu.dma_semaphore, #tpu.memory_space<semaphore_mem>>
            %dma_start3A_341 = arith.constant 0 : i32
            %dma_start3A_342 = arith.constant 0 : i32
            %dma_start3A_343 = tpu.memref_slice %run_scoped3A_18[%rem3A_330, %dma_start3A_341, %dma_start3A_342] : memref<2x1x256xi32, #tpu.memory_space<vmem>> -> memref<1x1x256xi32, #tpu.memory_space<vmem>>
            %dma_start3A_344 = tpu.memref_squeeze %dma_start3A_343 : memref<1x1x256xi32, #tpu.memory_space<vmem>> -> memref<1x256xi32, #tpu.memory_space<vmem>>
            %dma_start3A_345 = arith.constant 0 : i32
            %dma_start3A_346 = tpu.memref_slice %arg3[%dma_start3A_345, %mul3A_332] : memref<1x34816xi32, #tpu.memory_space<hbm>> -> memref<1x256xi32, #tpu.memory_space<hbm>>
            tpu.enqueue_dma source(%dma_start3A_346 : memref<1x256xi32, #tpu.memory_space<hbm>>) target(%dma_start3A_344 : memref<1x256xi32, #tpu.memory_space<vmem>>) target_semaphore(%dma_start3A_340 : memref<!tpu.dma_semaphore, #tpu.memory_space<semaphore_mem>>)
            "tpu.trace_stop"() : () -> ()
          } else {
          }
          %and3A_236 = arith.constant true
          %and3A_237 = arith.andi %and3A_232, %and3A_236 : i1
          %add3A_238 = arith.constant 1 : i32
          %add3A_239 = arith.addi %while3A_169, %add3A_238 : i32
          %select_n3A_240 = arith.select %and3A_237, %add3A_239, %while3A_169 : i32
          %ne3A_241 = arith.cmpi ne, %add3A_179, %add3A_189 : i32
          %or3A_242 = arith.constant false
          %or3A_243 = arith.ori %or3A_242, %ne3A_241 : i1
          %or3A_244 = arith.constant false
          %or3A_245 = arith.ori %or3A_243, %or3A_244 : i1
          %or3A_246 = arith.ori %or3A_245, %eq3A_175 : i1
          %convert_element_type3A_247 = arith.extui %or3A_246 : i1 to i32
          %cond3A_248 = arith.constant 0 : i32
          %cond3A_249 = arith.cmpi ne, %convert_element_type3A_247, %cond3A_248 : i32
          scf.if %cond3A_249 {
            "tpu.trace_start"() <{level = 10 : i32, message = "ep_wait_in"}> : () -> ()
            %mul3A_329 = arith.constant 256 : i32
            %mul3A_330 = arith.muli %mul3A_329, %add3A_179 : i32
            %rem3A_331 = arith.constant 2 : i32
            %rem3A_332 = arith.remui %while3A_168, %rem3A_331 : i32
            %dma_wait3A = arith.constant 0 : i32
            %dma_wait3A_333 = arith.constant 0 : i32
            %dma_wait3A_334 = tpu.memref_slice %run_scoped3A[%rem3A_332, %dma_wait3A, %dma_wait3A_333] : memref<2x256x128xf32, #tpu.memory_space<vmem>> -> memref<1x256x128xf32, #tpu.memory_space<vmem>>
            %dma_wait3A_335 = tpu.memref_squeeze %dma_wait3A_334 : memref<1x256x128xf32, #tpu.memory_space<vmem>> -> memref<256x128xf32, #tpu.memory_space<vmem>>
            %dma_wait3A_336 = arith.constant 0 : i32
            %dma_wait3A_337 = tpu.memref_slice %arg2[%mul3A_330, %dma_wait3A_336] : memref<34816x128xf32, #tpu.memory_space<hbm>> -> memref<256x128xf32, #tpu.memory_space<hbm>>
            %dma_wait3A_338 = tpu.memref_slice %run_scoped3A_17[%rem3A_332] : memref<2x!tpu.dma_semaphore, #tpu.memory_space<semaphore_mem>> -> memref<1x!tpu.dma_semaphore, #tpu.memory_space<semaphore_mem>>
            %dma_wait3A_339 = tpu.memref_squeeze %dma_wait3A_338 : memref<1x!tpu.dma_semaphore, #tpu.memory_space<semaphore_mem>> -> memref<!tpu.dma_semaphore, #tpu.memory_space<semaphore_mem>>
            %dma_wait3A_340 = arith.constant 0 : i32
            %dma_wait3A_341 = arith.constant 0 : i32
            %dma_wait3A_342 = tpu.memref_slice %run_scoped3A[%rem3A_332, %dma_wait3A_340, %dma_wait3A_341] : memref<2x256x128xf32, #tpu.memory_space<vmem>> -> memref<1x256x128xf32, #tpu.memory_space<vmem>>
            %dma_wait3A_343 = tpu.memref_squeeze %dma_wait3A_342 : memref<1x256x128xf32, #tpu.memory_space<vmem>> -> memref<256x128xf32, #tpu.memory_space<vmem>>
            %dma_wait3A_344 = arith.constant 0 : i32
            %dma_wait3A_345 = tpu.memref_slice %arg2[%mul3A_330, %dma_wait3A_344] : memref<34816x128xf32, #tpu.memory_space<hbm>> -> memref<256x128xf32, #tpu.memory_space<hbm>>
            tpu.wait_dma2 semaphore(%dma_wait3A_339 : memref<!tpu.dma_semaphore, #tpu.memory_space<semaphore_mem>>) src(%dma_wait3A_345 : memref<256x128xf32, #tpu.memory_space<hbm>>) dst(%dma_wait3A_343 : memref<256x128xf32, #tpu.memory_space<vmem>>)
            "tpu.trace_stop"() : () -> ()
          } else {
          }
          %ne3A_250 = arith.cmpi ne, %add3A_179, %add3A_189 : i32
          %or3A_251 = arith.constant false
          %or3A_252 = arith.ori %or3A_251, %ne3A_250 : i1
          %or3A_253 = arith.ori %or3A_252, %eq3A_175 : i1
          %convert_element_type3A_254 = arith.extui %or3A_253 : i1 to i32
          %cond3A_255 = arith.constant 0 : i32
          %cond3A_256 = arith.cmpi ne, %convert_element_type3A_254, %cond3A_255 : i32
          scf.if %cond3A_256 {
            "tpu.trace_start"() <{level = 10 : i32, message = "ep_wait_in"}> : () -> ()
            %mul3A_329 = arith.constant 256 : i32
            %mul3A_330 = arith.muli %mul3A_329, %add3A_179 : i32
            %rem3A_331 = arith.constant 2 : i32
            %rem3A_332 = arith.remui %while3A_170, %rem3A_331 : i32
            %dma_wait3A = arith.constant 0 : i32
            %dma_wait3A_333 = arith.constant 0 : i32
            %dma_wait3A_334 = tpu.memref_slice %run_scoped3A_18[%rem3A_332, %dma_wait3A, %dma_wait3A_333] : memref<2x1x256xi32, #tpu.memory_space<vmem>> -> memref<1x1x256xi32, #tpu.memory_space<vmem>>
            %dma_wait3A_335 = tpu.memref_squeeze %dma_wait3A_334 : memref<1x1x256xi32, #tpu.memory_space<vmem>> -> memref<1x256xi32, #tpu.memory_space<vmem>>
            %dma_wait3A_336 = arith.constant 0 : i32
            %dma_wait3A_337 = tpu.memref_slice %arg3[%dma_wait3A_336, %mul3A_330] : memref<1x34816xi32, #tpu.memory_space<hbm>> -> memref<1x256xi32, #tpu.memory_space<hbm>>
            %dma_wait3A_338 = tpu.memref_slice %run_scoped3A_19[%rem3A_332] : memref<2x!tpu.dma_semaphore, #tpu.memory_space<semaphore_mem>> -> memref<1x!tpu.dma_semaphore, #tpu.memory_space<semaphore_mem>>
            %dma_wait3A_339 = tpu.memref_squeeze %dma_wait3A_338 : memref<1x!tpu.dma_semaphore, #tpu.memory_space<semaphore_mem>> -> memref<!tpu.dma_semaphore, #tpu.memory_space<semaphore_mem>>
            %dma_wait3A_340 = arith.constant 0 : i32
            %dma_wait3A_341 = arith.constant 0 : i32
            %dma_wait3A_342 = tpu.memref_slice %run_scoped3A_18[%rem3A_332, %dma_wait3A_340, %dma_wait3A_341] : memref<2x1x256xi32, #tpu.memory_space<vmem>> -> memref<1x1x256xi32, #tpu.memory_space<vmem>>
            %dma_wait3A_343 = tpu.memref_squeeze %dma_wait3A_342 : memref<1x1x256xi32, #tpu.memory_space<vmem>> -> memref<1x256xi32, #tpu.memory_space<vmem>>
            %dma_wait3A_344 = arith.constant 0 : i32
            %dma_wait3A_345 = tpu.memref_slice %arg3[%dma_wait3A_344, %mul3A_330] : memref<1x34816xi32, #tpu.memory_space<hbm>> -> memref<1x256xi32, #tpu.memory_space<hbm>>
            tpu.wait_dma2 semaphore(%dma_wait3A_339 : memref<!tpu.dma_semaphore, #tpu.memory_space<semaphore_mem>>) src(%dma_wait3A_345 : memref<1x256xi32, #tpu.memory_space<hbm>>) dst(%dma_wait3A_343 : memref<1x256xi32, #tpu.memory_space<vmem>>)
            "tpu.trace_stop"() : () -> ()
          } else {
          }
          %rem3A_257 = arith.constant 2 : i32
          %rem3A_258 = arith.remui %while3A_168, %rem3A_257 : i32
          %rem3A_259 = arith.constant 2 : i32
          %rem3A_260 = arith.remui %while3A_170, %rem3A_259 : i32
          %run_scoped3A_261 = arith.constant 0 : i32
          "tpu.trace_start"() <{level = 10 : i32, message = "ep_run_kernel"}> : () -> ()
          "tpu.region"() ({
            %run_scoped3A_329 = tpu.sem_alloc : memref<!tpu.dma_semaphore, #tpu.memory_space<semaphore_mem>>
            %dma_start3A_330 = arith.constant 0 : i32
            %dma_start3A_331 = arith.constant 0 : i32
            %dma_start3A_332 = tpu.memref_slice %run_scoped3A[%rem3A_258, %dma_start3A_330, %dma_start3A_331] : memref<2x256x128xf32, #tpu.memory_space<vmem>> -> memref<1x256x128xf32, #tpu.memory_space<vmem>>
            %dma_start3A_333 = tpu.memref_squeeze %dma_start3A_332 : memref<1x256x128xf32, #tpu.memory_space<vmem>> -> memref<256x128xf32, #tpu.memory_space<vmem>>
            %dma_start3A_334 = arith.constant 0 : i32
            %dma_start3A_335 = arith.constant 0 : i32
            %dma_start3A_336 = tpu.memref_slice %run_scoped3A_18[%rem3A_260, %dma_start3A_334, %dma_start3A_335] : memref<2x1x256xi32, #tpu.memory_space<vmem>> -> memref<1x1x256xi32, #tpu.memory_space<vmem>>
            %dma_start3A_337 = tpu.memref_squeeze %dma_start3A_336 : memref<1x1x256xi32, #tpu.memory_space<vmem>> -> memref<1x256xi32, #tpu.memory_space<vmem>>
            %dma_start3A_338 = arith.constant 0 : i32
            %dma_start3A_339 = tpu.memref_slice %dma_start3A_337[%run_scoped3A_261, %dma_start3A_338] : memref<1x256xi32, #tpu.memory_space<vmem>> -> memref<1x256xi32, #tpu.memory_space<vmem>>
            %dma_start3A_340 = tpu.memref_squeeze %dma_start3A_339 : memref<1x256xi32, #tpu.memory_space<vmem>> -> memref<256xi32, #tpu.memory_space<vmem>>
            %dma_start3A_341 = arith.constant 0 : i32
            %dma_start3A_342 = arith.constant 0 : i32
            %dma_start3A_343 = tpu.memref_slice %arg4[%dma_start3A_341, %dma_start3A_342] : memref<32776x128xf32, #tpu.memory_space<hbm>> -> memref<32776x128xf32, #tpu.memory_space<hbm>>
            tpu.enqueue_indirect_dma source(%dma_start3A_333 : memref<256x128xf32, #tpu.memory_space<vmem>>) target(%dma_start3A_343 : memref<32776x128xf32, #tpu.memory_space<hbm>>) offsets(%dma_start3A_340 : memref<256xi32, #tpu.memory_space<vmem>>) semaphore(%run_scoped3A_329 : memref<!tpu.dma_semaphore, #tpu.memory_space<semaphore_mem>>)
            %dma_wait3A = arith.constant 0 : i32
            %dma_wait3A_344 = arith.constant 0 : i32
            %dma_wait3A_345 = tpu.memref_slice %run_scoped3A[%rem3A_258, %dma_wait3A, %dma_wait3A_344] : memref<2x256x128xf32, #tpu.memory_space<vmem>> -> memref<1x256x128xf32, #tpu.memory_space<vmem>>
            %dma_wait3A_346 = tpu.memref_squeeze %dma_wait3A_345 : memref<1x256x128xf32, #tpu.memory_space<vmem>> -> memref<256x128xf32, #tpu.memory_space<vmem>>
            %dma_wait3A_347 = arith.constant 0 : i32
            %dma_wait3A_348 = arith.constant 0 : i32
            %dma_wait3A_349 = tpu.memref_slice %run_scoped3A_18[%rem3A_260, %dma_wait3A_347, %dma_wait3A_348] : memref<2x1x256xi32, #tpu.memory_space<vmem>> -> memref<1x1x256xi32, #tpu.memory_space<vmem>>
            %dma_wait3A_350 = tpu.memref_squeeze %dma_wait3A_349 : memref<1x1x256xi32, #tpu.memory_space<vmem>> -> memref<1x256xi32, #tpu.memory_space<vmem>>
            %dma_wait3A_351 = arith.constant 0 : i32
            %dma_wait3A_352 = tpu.memref_slice %dma_wait3A_350[%run_scoped3A_261, %dma_wait3A_351] : memref<1x256xi32, #tpu.memory_space<vmem>> -> memref<1x256xi32, #tpu.memory_space<vmem>>
            %dma_wait3A_353 = tpu.memref_squeeze %dma_wait3A_352 : memref<1x256xi32, #tpu.memory_space<vmem>> -> memref<256xi32, #tpu.memory_space<vmem>>
            %dma_wait3A_354 = arith.constant 0 : i32
            %dma_wait3A_355 = arith.constant 0 : i32
            %dma_wait3A_356 = tpu.memref_slice %arg4[%dma_wait3A_354, %dma_wait3A_355] : memref<32776x128xf32, #tpu.memory_space<hbm>> -> memref<32776x128xf32, #tpu.memory_space<hbm>>
            tpu.wait_indirect_dma semaphore(%run_scoped3A_329 : memref<!tpu.dma_semaphore, #tpu.memory_space<semaphore_mem>>) src(%dma_wait3A_346 : memref<256x128xf32, #tpu.memory_space<vmem>>) dst(%dma_wait3A_356 : memref<32776x128xf32, #tpu.memory_space<hbm>>)
            tpu.yield
          }) : () -> ()
          "tpu.trace_stop"() : () -> ()
          %ne3A_262 = arith.cmpi ne, %add3A_179, %add3A_197 : i32
          %or3A_263 = arith.constant false
          %or3A_264 = arith.ori %or3A_263, %ne3A_262 : i1
          %or3A_265 = arith.constant false
          %or3A_266 = arith.ori %or3A_264, %or3A_265 : i1
          %or3A_267 = arith.ori %or3A_266, %eq3A_178 : i1
          %convert_element_type3A_268 = arith.extui %or3A_267 : i1 to i32
          %cond3A_269 = arith.constant 0 : i32
          %cond3A_270 = arith.cmpi ne, %convert_element_type3A_268, %cond3A_269 : i32
          scf.if %cond3A_270 {
          } else {
          }
          %and3A_271 = arith.constant false
          %and3A_272 = arith.andi %or3A_267, %and3A_271 : i1
          %ne3A_273 = arith.cmpi ne, %add3A_179, %add3A_197 : i32
          %or3A_274 = arith.constant false
          %or3A_275 = arith.ori %or3A_274, %ne3A_273 : i1
          %or3A_276 = arith.ori %or3A_275, %eq3A_178 : i1
          %convert_element_type3A_277 = arith.extui %or3A_276 : i1 to i32
          %cond3A_278 = arith.constant 0 : i32
          %cond3A_279 = arith.cmpi ne, %convert_element_type3A_277, %cond3A_278 : i32
          scf.if %cond3A_279 {
          } else {
          }
          %and3A_280 = arith.constant false
          %and3A_281 = arith.andi %or3A_276, %and3A_280 : i1
          %ne3A_282 = arith.cmpi ne, %add3A_179, %add3A_189 : i32
          %or3A_283 = arith.constant false
          %or3A_284 = arith.ori %or3A_283, %ne3A_282 : i1
          %or3A_285 = arith.constant false
          %or3A_286 = arith.ori %or3A_284, %or3A_285 : i1
          %not3A_287 = arith.constant true
          %not3A_288 = arith.xori %eq3A_175, %not3A_287 : i1
          %and3A_289 = arith.andi %or3A_286, %not3A_288 : i1
          %convert_element_type3A_290 = arith.extui %and3A_289 : i1 to i32
          %cond3A_291 = arith.constant 0 : i32
          %cond3A_292 = arith.cmpi ne, %convert_element_type3A_290, %cond3A_291 : i32
          scf.if %cond3A_292 {
          } else {
          }
          %and3A_293 = arith.constant false
          %and3A_294 = arith.andi %and3A_289, %and3A_293 : i1
          %ne3A_295 = arith.cmpi ne, %add3A_179, %add3A_189 : i32
          %or3A_296 = arith.constant false
          %or3A_297 = arith.ori %or3A_296, %ne3A_295 : i1
          %not3A_298 = arith.constant true
          %not3A_299 = arith.xori %eq3A_175, %not3A_298 : i1
          %and3A_300 = arith.andi %or3A_297, %not3A_299 : i1
          %convert_element_type3A_301 = arith.extui %and3A_300 : i1 to i32
          %cond3A_302 = arith.constant 0 : i32
          %cond3A_303 = arith.cmpi ne, %convert_element_type3A_301, %cond3A_302 : i32
          scf.if %cond3A_303 {
          } else {
          }
          %and3A_304 = arith.constant false
          %and3A_305 = arith.andi %and3A_300, %and3A_304 : i1
          %ne3A_306 = arith.cmpi ne, %add3A_179, %add3A_197 : i32
          %or3A_307 = arith.constant false
          %or3A_308 = arith.ori %or3A_307, %ne3A_306 : i1
          %or3A_309 = arith.constant false
          %or3A_310 = arith.ori %or3A_308, %or3A_309 : i1
          %or3A_311 = arith.ori %or3A_310, %eq3A_178 : i1
          %add3A_312 = arith.constant 1 : i32
          %add3A_313 = arith.addi %while3A_168, %add3A_312 : i32
          %select_n3A_314 = arith.select %or3A_311, %add3A_313, %while3A_168 : i32
          %ne3A_315 = arith.cmpi ne, %add3A_179, %add3A_197 : i32
          %or3A_316 = arith.constant false
          %or3A_317 = arith.ori %or3A_316, %ne3A_315 : i1
          %or3A_318 = arith.ori %or3A_317, %eq3A_178 : i1
          %add3A_319 = arith.constant 1 : i32
          %add3A_320 = arith.addi %while3A_170, %add3A_319 : i32
          %select_n3A_321 = arith.select %or3A_318, %add3A_320, %while3A_170 : i32
          %add3A_322 = arith.constant 1 : i32
          %add3A_323 = arith.addi %while3A_171, %add3A_322 : i32
          %select_n3A_324 = arith.constant true
          %select_n3A_325 = arith.select %select_n3A_324, %add3A_323, %while3A_171 : i32
          %eq3A_326 = arith.cmpi eq, %select_n3A_325, %select_n3A : i32
          %select_n3A_327 = arith.constant 0 : i32
          %select_n3A_328 = arith.select %eq3A_326, %select_n3A_327, %select_n3A_325 : i32
          scf.yield %select_n3A_221, %select_n3A_314, %select_n3A_240, %select_n3A_321, %select_n3A_328 : i32, i32, i32, i32, i32
        }
        %sub3A_115 = arith.constant 1 : i32
        %sub3A_116 = arith.subi %while3A_114#4, %sub3A_115 : i32
        %select_n3A_117 = arith.constant true
        %select_n3A_118 = arith.select %select_n3A_117, %sub3A_116, %while3A_114#4 : i32
        %eq3A_119 = arith.constant -1 : i32
        %eq3A_120 = arith.cmpi eq, %select_n3A_118, %eq3A_119 : i32
        %sub3A_121 = arith.constant 1 : i32
        %sub3A_122 = arith.subi %select_n3A, %sub3A_121 : i32
        %select_n3A_123 = arith.select %eq3A_120, %sub3A_122, %select_n3A_118 : i32
        %sub3A_124 = arith.constant 1 : i32
        %sub3A_125 = arith.subi %mul3A_16, %sub3A_124 : i32
        %mul3A_126 = arith.constant 1 : i32
        %mul3A_127 = arith.muli %mul3A_126, %select_n3A : i32
        %eq3A_128 = arith.constant 0 : i32
        %eq3A_129 = arith.cmpi eq, %sub3A_125, %eq3A_128 : i32
        %sub3A_130 = arith.constant 1 : i32
        %sub3A_131 = arith.subi %mul3A_127, %sub3A_130 : i32
        %eq3A_132 = arith.cmpi eq, %sub3A_125, %sub3A_131 : i32
        %add3A_133 = arith.addi %select_n3A_123, %select_n3A_14 : i32
        %sub3A_134 = arith.constant 1 : i32
        %sub3A_135 = arith.subi %select_n3A_123, %sub3A_134 : i32
        %select_n3A_136 = arith.constant true
        %select_n3A_137 = arith.select %select_n3A_136, %sub3A_135, %select_n3A_123 : i32
        %eq3A_138 = arith.constant -1 : i32
        %eq3A_139 = arith.cmpi eq, %select_n3A_137, %eq3A_138 : i32
        %sub3A_140 = arith.constant 1 : i32
        %sub3A_141 = arith.subi %select_n3A, %sub3A_140 : i32
        %select_n3A_142 = arith.select %eq3A_139, %sub3A_141, %select_n3A_137 : i32
        %add3A_143 = arith.addi %select_n3A_142, %select_n3A_14 : i32
        %add3A_144 = arith.constant 1 : i32
        %add3A_145 = arith.addi %select_n3A_123, %add3A_144 : i32
        %select_n3A_146 = arith.constant true
        %select_n3A_147 = arith.select %select_n3A_146, %add3A_145, %select_n3A_123 : i32
        %eq3A_148 = arith.cmpi eq, %select_n3A_147, %select_n3A : i32
        %select_n3A_149 = arith.constant 0 : i32
        %select_n3A_150 = arith.select %eq3A_148, %select_n3A_149, %select_n3A_147 : i32
        %add3A_151 = arith.addi %select_n3A_150, %select_n3A_14 : i32
        %add3A_152 = arith.constant 1 : i32
        %add3A_153 = arith.addi %select_n3A_150, %add3A_152 : i32
        %select_n3A_154 = arith.constant true
        %select_n3A_155 = arith.select %select_n3A_154, %add3A_153, %select_n3A_150 : i32
        %eq3A_156 = arith.cmpi eq, %select_n3A_155, %select_n3A : i32
        %select_n3A_157 = arith.constant 0 : i32
        %select_n3A_158 = arith.select %eq3A_156, %select_n3A_157, %select_n3A_155 : i32
        %add3A_159 = arith.addi %select_n3A_158, %select_n3A_14 : i32
        %convert_element_type3A_160 = arith.extui %eq3A_132 : i1 to i32
        %cond3A_161 = arith.constant 0 : i32
        %cond3A_162 = arith.cmpi ne, %convert_element_type3A_160, %cond3A_161 : i32
        scf.if %cond3A_162 {
        } else {
        }
        %convert_element_type3A_163 = arith.extui %eq3A_132 : i1 to i32
        %cond3A_164 = arith.constant 0 : i32
        %cond3A_165 = arith.cmpi ne, %convert_element_type3A_163, %cond3A_164 : i32
        scf.if %cond3A_165 {
        } else {
        }
      } else {
      }
      tpu.yield
    }) : () -> ()
    return
  }
}

module attributes {stable_mosaic.version = 14 : i64} {
  func.func @_mlp_block_kernel(%arg0: i32, %arg1: memref<136xi32, #tpu.memory_space<smem>>, %arg2: memref<256x128xf32, #tpu.memory_space<vmem>>, %arg3: memref<1x64x128xf32, #tpu.memory_space<vmem>>, %arg4: memref<1x1x64xf32, #tpu.memory_space<vmem>>, %arg5: memref<1x64x64xf32, #tpu.memory_space<vmem>>, %arg6: memref<1x1x64xf32, #tpu.memory_space<vmem>>, %arg7: memref<1x16x64xf32, #tpu.memory_space<vmem>>, %arg8: memref<1x1x16xf32, #tpu.memory_space<vmem>>, %arg9: memref<256x128xf32, #tpu.memory_space<vmem>>) attributes {dimension_semantics = [#tpu.dimension_semantics<arbitrary>], iteration_bounds = array<i64: 136>, scalar_prefetch = 1 : i64, scratch_operands = 0 : i64, tpu.core_type = #tpu.core_type<tc>, window_params = [{transform_indices = @transform_0, window_bounds = array<i64: 256, 128>}, {transform_indices = @transform_1, window_bounds = array<i64: 1, 64, 128>}, {transform_indices = @transform_2, window_bounds = array<i64: 1, 1, 64>}, {transform_indices = @transform_3, window_bounds = array<i64: 1, 64, 64>}, {transform_indices = @transform_4, window_bounds = array<i64: 1, 1, 64>}, {transform_indices = @transform_5, window_bounds = array<i64: 1, 16, 64>}, {transform_indices = @transform_6, window_bounds = array<i64: 1, 1, 16>}, {transform_indices = @transform_7, window_bounds = array<i64: 256, 128>}]} {
    %get3A = arith.constant 0 : index
    %get3A_0 = arith.constant 0 : index
    %get3A_1 = vector.load %arg2[%get3A, %get3A_0] : memref<256x128xf32, #tpu.memory_space<vmem>>, vector<256x128xf32>
    %convert_element_type3A = arith.truncf %get3A_1 : vector<256x128xf32> to vector<256x128xbf16>
    %get3A_2 = arith.constant 0 : index
    %get3A_3 = arith.constant 0 : index
    %get3A_4 = arith.constant 0 : index
    %get3A_5 = vector.load %arg3[%get3A_2, %get3A_3, %get3A_4] : memref<1x64x128xf32, #tpu.memory_space<vmem>>, vector<1x64x128xf32>
    %get3A_6 = vector.shape_cast %get3A_5 : vector<1x64x128xf32> to vector<64x128xf32>
    %convert_element_type3A_7 = arith.truncf %get3A_6 : vector<64x128xf32> to vector<64x128xbf16>
    %dot_general3A = arith.constant dense<0.000000e+00> : vector<256x64xf32>
    %dot_general3A_8 = tpu.matmul %convert_element_type3A, %convert_element_type3A_7, %dot_general3A {dimension_numbers = #tpu.dot_dimension_numbers<[1], [1], [0], [0], [0, 0, 1, 0], [], []>, transpose_lhs_hint = false} : vector<256x128xbf16>, vector<64x128xbf16>, vector<256x64xf32> -> vector<256x64xf32>
    %get3A_9 = arith.constant 0 : index
    %get3A_10 = arith.constant 0 : index
    %get3A_11 = arith.constant 0 : index
    %get3A_12 = vector.load %arg4[%get3A_9, %get3A_10, %get3A_11] : memref<1x1x64xf32, #tpu.memory_space<vmem>>, vector<1x1x64xf32>
    %get3A_13 = vector.shape_cast %get3A_12 : vector<1x1x64xf32> to vector<1x64xf32>
    %add3A = vector.broadcast %get3A_13 : vector<1x64xf32> to vector<256x64xf32>
    %add3A_14 = arith.addf %dot_general3A_8, %add3A : vector<256x64xf32>
    %gt3A = arith.constant 0.000000e+00 : f32
    %gt3A_15 = vector.broadcast %gt3A : f32 to vector<256x64xf32>
    %gt3A_16 = arith.cmpf ogt, %add3A_14, %gt3A_15 : vector<256x64xf32>
    %min3A = arith.constant 0.000000e+00 : f32
    %min3A_17 = vector.broadcast %min3A : f32 to vector<256x64xf32>
    %min3A_18 = arith.minimumf %add3A_14, %min3A_17 : vector<256x64xf32>
    %exp3A = math.exp %min3A_18 : vector<256x64xf32>
    %sub3A = arith.constant 1.000000e+00 : f32
    %sub3A_19 = vector.broadcast %sub3A : f32 to vector<256x64xf32>
    %sub3A_20 = arith.subf %exp3A, %sub3A_19 : vector<256x64xf32>
    %select_n3A = arith.select %gt3A_16, %add3A_14, %sub3A_20 : vector<256x64xi1>, vector<256x64xf32>
    %convert_element_type3A_21 = arith.truncf %select_n3A : vector<256x64xf32> to vector<256x64xbf16>
    %get3A_22 = arith.constant 0 : index
    %get3A_23 = arith.constant 0 : index
    %get3A_24 = arith.constant 0 : index
    %get3A_25 = vector.load %arg5[%get3A_22, %get3A_23, %get3A_24] : memref<1x64x64xf32, #tpu.memory_space<vmem>>, vector<1x64x64xf32>
    %get3A_26 = vector.shape_cast %get3A_25 : vector<1x64x64xf32> to vector<64x64xf32>
    %convert_element_type3A_27 = arith.truncf %get3A_26 : vector<64x64xf32> to vector<64x64xbf16>
    %dot_general3A_28 = arith.constant dense<0.000000e+00> : vector<256x64xf32>
    %dot_general3A_29 = tpu.matmul %convert_element_type3A_21, %convert_element_type3A_27, %dot_general3A_28 {dimension_numbers = #tpu.dot_dimension_numbers<[1], [1], [0], [0], [0, 0, 1, 0], [], []>, transpose_lhs_hint = false} : vector<256x64xbf16>, vector<64x64xbf16>, vector<256x64xf32> -> vector<256x64xf32>
    %get3A_30 = arith.constant 0 : index
    %get3A_31 = arith.constant 0 : index
    %get3A_32 = arith.constant 0 : index
    %get3A_33 = vector.load %arg6[%get3A_30, %get3A_31, %get3A_32] : memref<1x1x64xf32, #tpu.memory_space<vmem>>, vector<1x1x64xf32>
    %get3A_34 = vector.shape_cast %get3A_33 : vector<1x1x64xf32> to vector<1x64xf32>
    %add3A_35 = vector.broadcast %get3A_34 : vector<1x64xf32> to vector<256x64xf32>
    %add3A_36 = arith.addf %dot_general3A_29, %add3A_35 : vector<256x64xf32>
    %gt3A_37 = arith.constant 0.000000e+00 : f32
    %gt3A_38 = vector.broadcast %gt3A_37 : f32 to vector<256x64xf32>
    %gt3A_39 = arith.cmpf ogt, %add3A_36, %gt3A_38 : vector<256x64xf32>
    %min3A_40 = arith.constant 0.000000e+00 : f32
    %min3A_41 = vector.broadcast %min3A_40 : f32 to vector<256x64xf32>
    %min3A_42 = arith.minimumf %add3A_36, %min3A_41 : vector<256x64xf32>
    %exp3A_43 = math.exp %min3A_42 : vector<256x64xf32>
    %sub3A_44 = arith.constant 1.000000e+00 : f32
    %sub3A_45 = vector.broadcast %sub3A_44 : f32 to vector<256x64xf32>
    %sub3A_46 = arith.subf %exp3A_43, %sub3A_45 : vector<256x64xf32>
    %select_n3A_47 = arith.select %gt3A_39, %add3A_36, %sub3A_46 : vector<256x64xi1>, vector<256x64xf32>
    %convert_element_type3A_48 = arith.truncf %select_n3A_47 : vector<256x64xf32> to vector<256x64xbf16>
    %get3A_49 = arith.constant 0 : index
    %get3A_50 = arith.constant 0 : index
    %get3A_51 = arith.constant 0 : index
    %get3A_52 = vector.load %arg7[%get3A_49, %get3A_50, %get3A_51] : memref<1x16x64xf32, #tpu.memory_space<vmem>>, vector<1x16x64xf32>
    %get3A_53 = vector.shape_cast %get3A_52 : vector<1x16x64xf32> to vector<16x64xf32>
    %convert_element_type3A_54 = arith.truncf %get3A_53 : vector<16x64xf32> to vector<16x64xbf16>
    %dot_general3A_55 = arith.constant dense<0.000000e+00> : vector<256x16xf32>
    %dot_general3A_56 = tpu.matmul %convert_element_type3A_48, %convert_element_type3A_54, %dot_general3A_55 {dimension_numbers = #tpu.dot_dimension_numbers<[1], [1], [0], [0], [0, 0, 1, 0], [], []>, transpose_lhs_hint = false} : vector<256x64xbf16>, vector<16x64xbf16>, vector<256x16xf32> -> vector<256x16xf32>
    %get3A_57 = arith.constant 0 : index
    %get3A_58 = arith.constant 0 : index
    %get3A_59 = arith.constant 0 : index
    %get3A_60 = vector.load %arg8[%get3A_57, %get3A_58, %get3A_59] : memref<1x1x16xf32, #tpu.memory_space<vmem>>, vector<1x1x16xf32>
    %get3A_61 = vector.shape_cast %get3A_60 : vector<1x1x16xf32> to vector<1x16xf32>
    %add3A_62 = vector.broadcast %get3A_61 : vector<1x16xf32> to vector<256x16xf32>
    %add3A_63 = arith.addf %dot_general3A_56, %add3A_62 : vector<256x16xf32>
    %swap3A = arith.constant 0 : index
    %swap3A_64 = arith.constant 0 : index
    %swap3A_65 = vector.load %arg9[%swap3A, %swap3A_64] : memref<256x128xf32, #tpu.memory_space<vmem>>, vector<256x16xf32>
    tpu.vector_store %arg9[%swap3A, %swap3A_64], %add3A_63 {strides = array<i32>} : memref<256x128xf32, #tpu.memory_space<vmem>>, vector<256x16xf32>,
    %broadcast_in_dim3A = arith.constant 0.000000e+00 : f32
    %broadcast_in_dim3A_66 = vector.broadcast %broadcast_in_dim3A : f32 to vector<256x112xf32>
    %swap3A_67 = arith.constant 0 : index
    %swap3A_68 = arith.constant 16 : index
    %swap3A_69 = vector.load %arg9[%swap3A_67, %swap3A_68] : memref<256x128xf32, #tpu.memory_space<vmem>>, vector<256x112xf32>
    tpu.vector_store %arg9[%swap3A_67, %swap3A_68], %broadcast_in_dim3A_66 {strides = array<i32>} : memref<256x128xf32, #tpu.memory_space<vmem>>, vector<256x112xf32>,
    return
  }
  func.func @transform_0(%arg0: i32, %arg1: memref<136xi32, #tpu.memory_space<smem>>) -> (i32, i32) {
    %c0_i32 = arith.constant 0 : i32
    %c0_i32_0 = arith.constant 0 : i32
    return %arg0, %c0_i32 : i32, i32
  }
  func.func @transform_1(%arg0: i32, %arg1: memref<136xi32, #tpu.memory_space<smem>>) -> (i32, i32, i32) {
    %get3A = arith.index_cast %arg0 : i32 to index
    %get3A_0 = memref.load %arg1[%get3A] : memref<136xi32, #tpu.memory_space<smem>>
    %c0_i32 = arith.constant 0 : i32
    %c0_i32_1 = arith.constant 0 : i32
    %c0_i32_2 = arith.constant 0 : i32
    return %get3A_0, %c0_i32, %c0_i32_1 : i32, i32, i32
  }
  func.func @transform_2(%arg0: i32, %arg1: memref<136xi32, #tpu.memory_space<smem>>) -> (i32, i32, i32) {
    %get3A = arith.index_cast %arg0 : i32 to index
    %get3A_0 = memref.load %arg1[%get3A] : memref<136xi32, #tpu.memory_space<smem>>
    %c0_i32 = arith.constant 0 : i32
    %c0_i32_1 = arith.constant 0 : i32
    %c0_i32_2 = arith.constant 0 : i32
    return %get3A_0, %c0_i32, %c0_i32_1 : i32, i32, i32
  }
  func.func @transform_3(%arg0: i32, %arg1: memref<136xi32, #tpu.memory_space<smem>>) -> (i32, i32, i32) {
    %get3A = arith.index_cast %arg0 : i32 to index
    %get3A_0 = memref.load %arg1[%get3A] : memref<136xi32, #tpu.memory_space<smem>>
    %c0_i32 = arith.constant 0 : i32
    %c0_i32_1 = arith.constant 0 : i32
    %c0_i32_2 = arith.constant 0 : i32
    return %get3A_0, %c0_i32, %c0_i32_1 : i32, i32, i32
  }
  func.func @transform_4(%arg0: i32, %arg1: memref<136xi32, #tpu.memory_space<smem>>) -> (i32, i32, i32) {
    %get3A = arith.index_cast %arg0 : i32 to index
    %get3A_0 = memref.load %arg1[%get3A] : memref<136xi32, #tpu.memory_space<smem>>
    %c0_i32 = arith.constant 0 : i32
    %c0_i32_1 = arith.constant 0 : i32
    %c0_i32_2 = arith.constant 0 : i32
    return %get3A_0, %c0_i32, %c0_i32_1 : i32, i32, i32
  }
  func.func @transform_5(%arg0: i32, %arg1: memref<136xi32, #tpu.memory_space<smem>>) -> (i32, i32, i32) {
    %get3A = arith.index_cast %arg0 : i32 to index
    %get3A_0 = memref.load %arg1[%get3A] : memref<136xi32, #tpu.memory_space<smem>>
    %c0_i32 = arith.constant 0 : i32
    %c0_i32_1 = arith.constant 0 : i32
    %c0_i32_2 = arith.constant 0 : i32
    return %get3A_0, %c0_i32, %c0_i32_1 : i32, i32, i32
  }
  func.func @transform_6(%arg0: i32, %arg1: memref<136xi32, #tpu.memory_space<smem>>) -> (i32, i32, i32) {
    %get3A = arith.index_cast %arg0 : i32 to index
    %get3A_0 = memref.load %arg1[%get3A] : memref<136xi32, #tpu.memory_space<smem>>
    %c0_i32 = arith.constant 0 : i32
    %c0_i32_1 = arith.constant 0 : i32
    %c0_i32_2 = arith.constant 0 : i32
    return %get3A_0, %c0_i32, %c0_i32_1 : i32, i32, i32
  }
  func.func @transform_7(%arg0: i32, %arg1: memref<136xi32, #tpu.memory_space<smem>>) -> (i32, i32) {
    %c0_i32 = arith.constant 0 : i32
    %c0_i32_0 = arith.constant 0 : i32
    return %arg0, %c0_i32 : i32, i32
  }
}

</mosaic_0001>

<sc_bundles>
// kernel: kernel.5.cloned.1.call-start
scs
__scs_entry_jumppad:
0x0: {  	(pc) =	sbr.rel $0x88, $3  }
0x1: {  	(tag) =	ssettag $0x0;
	lr =	simm.s32 $0x1  }
0x2: {  	[smem:$0x3F99] =	sst lr;
	_ =	strace $0xD0000000  }
0x3: {  	_ = 	snop  }
0x4: {  	_ = 	snop  }
0x5: {  	_ = 	snop  }
0x6: {  	_ = 	snop  }
0x7: {  	_ = 	snop  }
__scs_overlays_trampoline_lowered:
0x8: {  	[smem:$0x3FA8] =	sst s0  }
0x9: {  	[smem:$0x3FA9] =	sst s1  }
0xa: {  	[smem:$0x3FAA] =	sst s2  }
0xb: {  	[smem:$0x3FAB] =	sst s3  }
0xc: {  	[smem:$0x3FAC] =	sst s4  }
0xd: {  	[smem:$0x3FAD] =	sst s5  }
0xe: {  	[smem:$0x3FAE] =	sst s6  }
0xf: {  	[smem:$0x3FAF] =	sst s7  }
0x10: {  	[smem:$0x3FB0] =	sst s8  }
0x11: {  	[smem:$0x3FB1] =	sst s9;
	s0 =	simm.s32 @!p0 $0x0  }
0x12: {  	s1 =	sld [smem:$0x3F97];
	s0 =	simm.s32 @p0 $0x1  }
0x13: {  	[smem:$0x3FB2] =	sst s0;
	s0 =	simm.s32 @!p1 $0x0  }
0x14: {  	s2 =	sld [smem:$0x3F96];
	s0 =	simm.s32 @p1 $0x1  }
0x15: {  	[smem:$0x3FB3] =	sst s0;
	s0 =	simm.s32 @!p2 $0x0  }
0x16: {  	s3 =	sld [smem:$0x3FDB];
	s0 =	simm.s32 @p2 $0x1  }
0x17: {  	s4 =	simm.s32 $0x1BF5;
	[smem:$0x3FB5] =	sst s0  }
0x18: {  	s0 =	sld [smem:$0x3F98];
	_ =	swait.ge [sflag:s4], $0x0  }
0x19: {  	s7 =	sld [smem:$0x3F99]  }
0x1a: {  	s8 =	sadd.s32 $0xFFFFE003, lr  }
0x1b: {  	s9 =	sadd.s32 $0xFFFFFEF7, lr;
	s5 =	simm.s32 $0xFFFFFFFF;
	p2 =	slt.u32 s8, $0xFFFFF086  }
0x1c: {  	p1 =	slt.u32 s9, $0xF7A;
	s5 =	simm.s32 @!p2 $0x0  }
0x1d: {  	s5 =	simm.s32 @p1 $0x1;
	p0 =	seq.s32 s7, s2  }
0x1e: {  	s7 =	smul.u32 @!p0 $0xF7A, s2;
	p2 =	seq.s32 @!p0 s5, $0x0  }
0x1f: {  	s9 =	smul.u32 $0xF7A, s1;
	s8 =	simm.s32 @!p0 $0x1BF5;
	p2 =	por !p2, p0  }
0x20: {  	[sflag:s8] =	ssyncset.s32 @!p0 $0xFFFFF086;
	s6 =	sadd.s32 @!p0 s3, s7;
	s7 =	simm.s32 @!p0 $0x108  }
0x21: {  	s3 =	sadd.s32 s3, s9;
	s6 =	sadd.s32 @!p0 $0x88, s6;
	s7 =	simm.s32 @p2 $0x1082  }
0x22: {  	[simem:s7], [sflag:s8] =	dma.local @!p0 [hbm:s6], $0xF7A  }
0x23: {  	s9 =	sor.u32 $0xD0000000, s2;
	s6 =	simm.s32 $0x108;
	_ =	swait.ge @!p0 [sflag:s8], $0x0  }
0x24: {  	s3 =	sadd.s32 $0x88, s3;
	s6 =	simm.s32 @!p1 $0x1082;
	[sflag:s4] =	ssyncset.s32 $0xFFFFF086  }
0x25: {  	[simem:s6], [sflag:s4] =	dma.local [hbm:s3], $0xF7A  }
0x26: {  	[smem:$0x3F99] =	sst s1;
	(tag) =	ssettag s2;
	_ =	strace s9  }
0x27: {  	s1 =	sld [smem:$0x3FA9]  }
0x28: {  	s2 =	sld [smem:$0x3FAA]  }
0x29: {  	s4 =	sld [smem:$0x3FAC]  }
0x2a: {  	p0 =	seq.s32 s5, $0x0;
	s5 =	sld [smem:$0x3FAD]  }
0x2b: {  	s6 =	sld [smem:$0x3FAE]  }
0x2c: {  	s7 =	sld [smem:$0x3FAF]  }
0x2d: {  	s3 =	simm.s32 $0x108;
	s8 =	sld [smem:$0x3FB0]  }
0x2e: {  	s3 =	simm.s32 @!p0 $0x1082;
	s9 =	sld [smem:$0x3FB1]  }
0x2f: {  	lr =	sadd.s32 s0, s3;
	s0 =	sld [smem:$0x3FA8]  }
0x30: {  	s3 =	sld [smem:$0x3FAB]  }
0x31: {  	[smem:$0x3FB4] =	sst s10  }
0x32: {  	s10 =	sld [smem:$0x3FB2];
	_ =	sdelay $0x3  }
0x33: {  	p0 =	seq.s32 s10, $0x1;
	s10 =	sld [smem:$0x3FB4];
	_ =	sdelay $0x3  }
0x34: {  	[smem:$0x3FB4] =	sst s10  }
0x35: {  	s10 =	sld [smem:$0x3FB3];
	_ =	sdelay $0x3  }
0x36: {  	p1 =	seq.s32 s10, $0x1;
	s10 =	sld [smem:$0x3FB4];
	_ =	sdelay $0x3  }
0x37: {  	[smem:$0x3FB4] =	sst s10  }
0x38: {  	s10 =	sld [smem:$0x3FB5]  }
0x39: {  	_ = 	snop;
	(pc) =	sbr.ind lr, $3  }
0x3a: {  	_ = 	snop  }
0x3b: {  	_ = 	snop  }
0x3c: {  	p2 =	seq.s32 s10, $0x1;
	s10 =	sld [smem:$0x3FB4]  }
0x3d: {  	_ =	shalt  }
0x3e: {  	_ =	shalt  }
0x3f: {  	_ =	shalt  }
0x40: {  	_ =	shalt  }
0x41: {  	_ =	shalt  }
0x42: {  	_ =	shalt  }
0x43: {  	_ =	shalt  }
0x44: {  	_ =	shalt  }
0x45: {  	_ =	shalt  }
0x46: {  	_ =	shalt  }
0x47: {  	_ =	shalt  }
0x48: {  	_ =	shalt  }
0x49: {  	_ =	shalt  }
0x4a: {  	_ =	shalt  }
0x4b: {  	_ =	shalt  }
0x4c: {  	_ =	shalt  }
0x4d: {  	_ =	shalt  }
0x4e: {  	_ =	shalt  }
0x4f: {  	_ =	shalt  }
0x50: {  	_ =	shalt  }
0x51: {  	_ =	shalt  }
0x52: {  	_ =	shalt  }
0x53: {  	_ =	shalt  }
0x54: {  	_ =	shalt  }
0x55: {  	_ =	shalt  }
0x56: {  	_ =	shalt  }
0x57: {  	_ =	shalt  }
0x58: {  	_ =	shalt  }
0x59: {  	_ =	shalt  }
0x5a: {  	_ =	shalt  }
0x5b: {  	_ =	shalt  }
0x5c: {  	_ =	shalt  }
0x5d: {  	_ =	shalt  }
0x5e: {  	_ =	shalt  }
0x5f: {  	_ =	shalt  }
0x60: {  	_ =	shalt  }
0x61: {  	_ =	shalt  }
0x62: {  	_ =	shalt  }
0x63: {  	_ =	shalt  }
0x64: {  	_ =	shalt  }
0x65: {  	_ =	shalt  }
0x66: {  	_ =	shalt  }
0x67: {  	_ =	shalt  }
0x68: {  	_ =	shalt  }
0x69: {  	_ =	shalt  }
0x6a: {  	_ =	shalt  }
0x6b: {  	_ =	shalt  }
0x6c: {  	_ =	shalt  }
0x6d: {  	_ =	shalt  }
0x6e: {  	_ =	shalt  }
0x6f: {  	_ =	shalt  }
0x70: {  	_ =	shalt  }
0x71: {  	_ =	shalt  }
0x72: {  	_ =	shalt  }
0x73: {  	_ =	shalt  }
0x74: {  	_ =	shalt  }
0x75: {  	_ =	shalt  }
0x76: {  	_ =	shalt  }
0x77: {  	_ =	shalt  }
0x78: {  	_ =	shalt  }
0x79: {  	_ =	shalt  }
0x7a: {  	_ =	shalt  }
0x7b: {  	_ =	shalt  }
0x7c: {  	_ =	shalt  }
0x7d: {  	_ =	shalt  }
0x7e: {  	_ =	shalt  }
0x7f: {  	_ =	shalt  }
0x80: {  	_ =	shalt  }
0x81: {  	_ =	shalt  }
0x82: {  	_ =	shalt  }
0x83: {  	_ =	shalt  }
0x84: {  	_ =	shalt  }
0x85: {  	_ =	shalt  }
0x86: {  	_ =	shalt  }
0x87: {  	_ =	shalt  }
.Lfunc_end0:
.L_simem_size_0:
called_computation_lowered:
.L_overlay_start_0:
0x88: {  	s2 =	sld [smem:$0x3FD9]  }
0x89: {  	s3 =	sld [smem:$0x3FFE];
	_ =	sdelay $0x1  }
0x8a: {  	s1 =	srdreg.scid  }
0x8b: {  	s0 =	sand.u32 $0x1, s1  }
0x8c: {  	s14 =	sshll.u32 s0, $0xA;
	s2 =	sadd.s32 s3, s2  }
0x8d: {  	s2 =	sadd.s32 s2, s14  }
0x8e: {  	[smem:$0x3FC0] =	sst s2  }
0x8f: {  	_ = 	snop  }
0x90: {  	s2 =	sld [smem:$0x3FD0];
	_ =	sdelay $0x2  }
0x91: {  	s4 =	simm.s32 $0xA;
	s5 =	simm.s32 $0x10;
	s15 =	sld [smem:$0x3FC8]  }
0x92: {  	[smem:s5], [sflag:s4] =	dma.local [hbm:s2], $0x1  }
0x93: {  	_ =	swait.eq [sflag:s4], $0x1  }
0x94: {  	[sflag:s4] =	ssyncset.done $0x0  }
0x95: {  	[sflag:s4] =	ssyncadd.s32 $0xFFFFFFFF  }
0x96: {  	s16 =	sld [smem:$0x11];
	(tm) =	ssettm $0x1  }
0x97: {  	s17 =	sld [smem:$0x3FFB];
	_ =	sdelay $0x3  }
0x98: {  	_ =	strace s17  }
0x99: {  	s4 =	sld [smem:$0x3FFC];
	_ =	sdelay $0x3  }
0x9a: {  	_ =	strace s4  }
0x9b: {  	s4 =	sld [smem:$0x3FFD];
	_ =	sdelay $0x3  }
0x9c: {  	_ =	strace s4  }
0x9d: {  	_ =	strace $0x8FFFFFFF  }
0x9e: {  	s18 =	sld [smem:$0x3FDB];
	_ =	sdelay $0x1  }
0x9f: {  	s19 =	simm.s32 $_scs_section_size  }
0xa0: {  	s6 =	simm.s32 $_size__tile_overlayer_lowered;
	s7 =	simm.s32 $_tile_overlayer_lowered  }
0xa1: {  	s22 =	simm.s32 $0x1BFF;
	s21 =	sshll.u32 s7, $0x1;
	s4 =	sadd.s32 s19, s18  }
0xa2: {  	s8 =	simm.s32 $0x0;
	s20 =	sshll.u32 s6, $0x1;
	s6 =	sadd.s32 s21, s4  }
0xa3: {  	[timem:s8], [sflag:s22] =	dma.local [hbm:s6], s20  }
0xa4: {  	_ =	swait.ge [sflag:s22], s20  }
0xa5: {  	s5 =	ssub.s32 $0x0, s20;
	[sflag:s22] =	ssyncset.done $0x0  }
0xa6: {  	[sflag:s22] =	ssyncadd.s32 s5;
	_ =	sdelay $0x1  }
0xa7: {  	s23 =	simm.s32 $0x1B8B  }
0xa8: {  	_ =	swait.ge [sflag:s23], $0x1  }
0xa9: {  	[sflag:s23] =	ssyncset.done $0x0  }
0xaa: {  	s25 =	simm.s32 $0x1B8E;
	s24 =	sld [smem:$0x3FFE];
	[sflag:s23] =	ssyncadd.s32 $0xFFFFFFFF  }
0xab: {  	s26 =	simm.s32 $execute0_lowered;
	[smem:$0x3FD2] =	sst s25  }
0xac: {  	s6 =	sshll.u32 s26, $0x1;
	_ =	strace $0x80000046;
	[dreg:$0x1] =	wrdreg $0xFFFFFFFF  }
0xad: {  	s28 =	simm.s32 $_size_execute0_lowered;
	s4 =	sadd.s32 s4, s6;
	[dreg:$0x0] =	wrdreg $0x0  }
0xae: {  	s6 =	sshll.u32 s28, $0x1;
	[dreg:$0x2] =	wrdreg s4  }
0xaf: {  	[dreg:$0x3] =	wrdreg s6  }
0xb0: {  	[dreg:$0x4] =	wrdreg $0xC0  }
0xb1: {  	_ =	task [dreg:s8], $0x5FFFF  }
0xb2: {  	[dreg:$0x1] =	wrdreg $0xFFFFFFFF  }
0xb3: {  	[dreg:$0x0] =	wrdreg $0x60  }
0xb4: {  	[dreg:$0x2] =	wrdreg s15  }
0xb5: {  	[dreg:$0x3] =	wrdreg s16  }
0xb6: {  	[dreg:$0x4] =	wrdreg s24  }
0xb7: {  	[dreg:$0x5] =	wrdreg $0x9  }
0xb8: {  	_ =	task.clear_ibuf [dreg:s8], $0x6FFFF;
	_ =	strace $0x90000046  }
0xb9: {  	s29 =	simm.s32 $0x9;
	_ =	strace $0x8000004F  }
0xba: {  	_ =	swait.ge [sflag:s29], $0x1  }
0xbb: {  	[sflag:s29] =	ssyncadd.s32 $0xFFFFFFFF  }
0xbc: {  	_ =	strace $0x9000004F  }
0xbd: {  	_ =	sfence  }
0xbe: {  	s30 =	sld [smem:$0x0];
	_ =	sdelay $0x2  }
0xbf: {  	s31 =	sshll.u32 s1, $0xD;
	s1 =	sshrl.u32 s1, $0x2  }
0xc0: {  	s3 =	sand.u32 $0x4000, s31;
	s1 =	sadd.s32 s1, s30  }
0xc1: {  	s0 =	sor.u32 s3, s0;
	s1 =	sshll.u32 s1, $0x11  }
0xc2: {  	s0 =	sor.u32 s1, s0  }
0xc3: {  	s0 =	sadd.s32 $0x8F2B, s0  }
0xc4: {  	[sflag:s0] =	ssyncadd.remote.s32 $0x1  }
0xc5: {  	_ =	sfence.sel $0xFFFF  }
0xc6: {  	[dreg:$0x0] =	wrdreg $0xFFFFFFFF;
	(pc) =	sbr.abs _section_cstart, $3  }
0xc7: {  	[dreg:$0x1] =	wrdreg $0xFFFFFFFF  }
0xc8: {  	_ =	task.clear_ibuf [dreg:s8], $0x2FFFF;
	_ =	strace $0x9FFFFFFF  }
0xc9: {  	(tm) =	ssettm $0x7FFFFFFF  }
tec
execute0_lowered:
.L_overlay_start_1:
0x0: {  	(tag) =	ssettag $0x1  }
0x1: {  	s0 =	rddreg [dreg:$0x0]  }
0x2: {  	s30 =	srdreg.scid;
	s2 =	rddreg [dreg:$0x1]  }
0x3: {  	s6 =	rddreg [dreg:$0x2];
	s1 =	stileid.u32  }
0x4: {  	s3 =	simm.s32 $0x0;
	s11 =	simm.s32 $0x100;
	[dreg:$0x4] =	wrdreg s0  }
0x5: {  	s10 =	simm.s32 $0x1;
	s5 =	sand.u32 $0x1, s30;
	s0 =	rddreg [dreg:$0x3]  }
0x6: {  	[smem:$0x7FF] =	sst s3;
	s6 =	sadd.s32 $0x1200, s6;
	s4 =	sshll.u32 s5, $0x4  }
0x7: {  	_ =	strace $0x80000047;
	s5 =	ssub.s32 $0x2, s5;
	s4 =	sor.u32 s1, s4  }
0x8: {  	[dreg:$0x6] =	wrdreg s6;
	s7 =	smul.u32 $0x5, s4;
	s8 =	sshll.u32 s4, $0x2  }
0x9: {  	s6 =	simm.s32 $0x5;
	p0 =	slt.u32 s4, $0x8;
	s4 =	sadd.s32 $0x8, s8  }
0xa: {  	[dreg:$0x5] =	wrdreg s11;
	s31 =	sshrl.u32 s5, $0x1;
	s4 =	smov.u32 @p0 s7  }
0xb: {  	s9 =	ssub.s32 s5, s31;
	s5 =	simm.s32 $0x5;
	s7 =	sshll.u32 s4, $0x5  }
0xc: {  	s11 =	simm.s32 $0x0;
	s5 =	simm.s32 @!p0 $0x4;
	s7 =	sand.u32 $0x1FFFFFE0, s7  }
0xd: {  	s9 =	smax.u32 s9, $0x1;
	s8 =	sadd.s32 $0xFFFFFFFF, s5;
	s7 =	sadd.s32 s2, s7  }
.LBB2_1:
0xe: {  	_ =	strace $0x80000048;
	p2 =	sne.s32 s5, $0x1  }
.Ltmp0:
0xf: {  	p0 =	seq.s32 s5, $0x1;
	s13 =	simm.s32 $0x1;
	(pc) =	sbr.rel @!p2 .LBB2_2-.Ltmp0, $4  }
0x10: {  	[tilespmem:s3], [sflag:$0x1] =	stream.linear.gather [hbm4b:s7+s3], $0x100, $0x200038;
	[tilespmem:$0x10200] =	vst v63  }
0x11: {  	s12 =	simm.s32 $0x1;
	p1 =	por $0x1, $0x1;
	s13 =	simm.s32 @p0 $0x0  }
0x12: {  	p6 =	sgt.u32 s8, $0x0;
	p4 =	por p1, p1;
	p3 =	sne.s32 s13, $0x0  }
0x13: {  	_ =	strace $0x90000048;
	p5 =	por !p6, !p3;
	p6 =	por $0x0, $0x0  }
0x14: {  	p2 =	por !p5, !p5  }
0x15: {  	s21 =	sand.u32 $0x1, s3;
	s19 =	simm.s32 $0x2;
	s14 =	sadd.s32 @p2 s4, s13  }
0x16: {  	p1 =	por p3, p3;
	s15 =	sand.u32 @p2 $0x1, s10;
	s14 =	sshll.u32 @p2 s14, $0x5  }
0x17: {  	_ =	strace @p2 $0x80000049;
	s17 =	simm.s32 @p2 $0x0;
	s14 =	sand.u32 @p2 $0x1FFFFFE0, s14  }
0x18: {  	s16 =	sshll.u32 @p2 s15, $0x8;
	s15 =	sadd.s32 @p2 $0x1, s15;
	s14 =	sadd.s32 @p2 s2, s14  }
0x19: {  	[tilespmem:s16], [sflag:s15] =	stream.linear.gather @p2 [hbm4b:s14+s17], $0x100, $0x200038;
	[tilespmem:$0x10200] =	vst v63  }
0x1a: {  	s30 =	simm.s32 $0x0;
	p6 =	por $0x0, $0x0;
	_ =	strace @p2 $0x90000049  }
0x1b: {  	p0 =	sne.s32 s5, $0x2;
	s29 =	sadd.s32 $0x1, s21;
	_ =	strace $0x8000004A  }
0x1c: {  	s24 =	sadd.s32 $0x0, s4;
	p5 =	sgt.u32 s8, $0x1;
	_ =	swait.ge [sflag:s29], $0x100  }
0x1d: {  	s23 =	simm.s32 $0x1;
	s22 =	sshll.u32 s21, $0xF;
	[sflag:s29] =	ssyncset.done $0x0  }
0x1e: {  	s22 =	sor.u32 $0x200, s22;
	s16 =	sand.u32 @!p4 $0x1, s3;
	[sflag:s29] =	ssyncadd.s32 $0xFFFFFF00  }
0x1f: {  	s15 =	simm.s32 $0x1;
	s17 =	sadd.s32 $0x1, s13;
	_ =	strace $0x9000004A  }
0x20: {  	s14 =	sand.u32 $0x100, s30;
	s15 =	simm.s32 @!p2 $0x0;
	_ =	strace $0x8000004B  }
0x21: {  	p2 =	por p4, p4;
	p4 =	por p6, p6;
	s20 =	rddreg [dreg:$0x5]  }
0x22: {  	p3 =	seq.s32 s17, s5;
	p6 =	seq.s32 s8, $0x0;
	s31 =	rddreg [dreg:$0x4]  }
0x23: {  	[tilespmem:s22], [sflag:$0x5] =	stream.indirect.gather [hbm4b:s31+s20], $0x80, s14, s20, $0x2000b8;
	[tilespmem:$0x10200] =	vst v63  }
.Ltmp1:
0x24: {  	s18 =	sadd.s32 $0x1, s15;
	s17 =	simm.s32 @p3 $0x0;
	(pc) =	sbr.rel @!p0 .LBB2_4-.Ltmp1, $4  }
0x25: {  	p1 =	por p6, p1;
	p6 =	por $0x0, $0x0;
	_ =	swait.ge [sflag:s6], $0x8000  }
0x26: {  	s15 =	simm.s32 $0x0;
	p3 =	sne.s32 s13, s17;
	[sflag:s6] =	ssyncset.done $0x0  }
0x27: {  	s23 =	simm.s32 @!p6 $0x0;
	p5 =	por !p5, !p3;
	[sflag:s6] =	ssyncadd.s32 $0xFFFF8000  }
0x28: {  	s14 =	simm.s32 $0x0;
	s20 =	simm.s32 $0x0;
	_ =	strace $0x9000004B  }
.LBB2_5:
0x29: {  	_ =	strace @p1 $0x8000004C;
	s14 =	sadd.s32 s23, s14;
	s23 =	smov.u32 s12  }
0x2a: {  	s12 =	smov.u32 s19;
	s19 =	sadd.s32 $0x1, s19;
	p0 =	por p3, p3  }
0x2b: {  	s29 =	sshll.u32 @p1 s24, $0xC;
	s21 =	sadd.s32 @p1 $0x3, s21;
	s25 =	simm.s32 @!p0 $0x0  }
0x2c: {  	s26 =	rddreg [dreg:$0x6];
	s29 =	sand.u32 @p1 $0x1FFFF000, s29;
	s25 =	simm.s32 @p0 $0x1  }
0x2d: {  	s26 =	sadd.s32 @p1 s26, s29;
	s29 =	simm.s32 @p1 $0x0;
	p0 =	sne.s32 s5, s19  }
0x2e: {  	[hbm4b:s26+s29] =	stream.linear.scatter @p1 [tilespmem:s22], [sflag:s21], $0x8000, $0x200038;
	[tilespmem:$0x10200] =	vst v63  }
0x2f: {  	s21 =	sadd.s32 @!p2 $0x3, s16;
	s16 =	simm.s32 @!p0 $0x0  }
0x30: {  	s28 =	simm.s32 $0x1;
	[smem:$0x7FC] =	sst s25;
	s16 =	simm.s32 @p0 $0x1  }
0x31: {  	s28 =	simm.s32 @!p1 $0x0;
	_ =	strace @p1 $0x9000004C;
	[smem:$0x7FD] =	sst s16  }
0x32: {  	s20 =	sadd.s32 s28, s20;
	s25 =	sand.u32 @!p4 $0x1, s14;
	_ =	strace @!p2 $0x8000004D  }
0x33: {  	p1 =	por !p5, !p5;
	s16 =	smov.u32 s25;
	_ =	swait.ge @!p2 [sflag:s21], $0x8000  }
0x34: {  	s22 =	sand.u32 @p1 $0x1, s18;
	s25 =	sadd.s32 @p1 s4, s17;
	[sflag:s21] =	ssyncset.done @!p2 $0x0  }
0x35: {  	s26 =	sshll.u32 @p1 s22, $0x8;
	s25 =	sshll.u32 @p1 s25, $0x5;
	[sflag:s21] =	ssyncadd.s32 @!p2 $0xFFFF8000  }
0x36: {  	s21 =	sadd.s32 @p1 $0x1, s22;
	s22 =	sand.u32 @p1 $0x1FFFFFE0, s25;
	_ =	strace @!p2 $0x9000004D  }
0x37: {  	s25 =	simm.s32 @p1 $0x0;
	s22 =	sadd.s32 @p1 s2, s22;
	_ =	strace @p1 $0x80000049  }
0x38: {  	[tilespmem:s26], [sflag:s21] =	stream.linear.gather @p1 [hbm4b:s22+s25], $0x100, $0x200038;
	[tilespmem:$0x10200] =	vst v63  }
0x39: {  	s15 =	sadd.s32 s28, s15;
	s28 =	sand.u32 $0x1, s20;
	_ =	strace @p1 $0x90000049  }
0x3a: {  	s28 =	sadd.s32 $0x1, s28;
	_ =	strace $0x8000004A  }
0x3b: {  	_ =	swait.ge [sflag:s28], $0x100  }
0x3c: {  	[sflag:s28] =	ssyncset.done $0x0  }
0x3d: {  	s21 =	simm.s32 $0x1;
	[sflag:s28] =	ssyncadd.s32 $0xFFFFFF00  }
0x3e: {  	s21 =	simm.s32 @!p1 $0x0;
	_ =	strace $0x9000004A  }
0x3f: {  	s18 =	sadd.s32 s21, s18;
	s21 =	sand.u32 $0x1, s15;
	_ =	strace $0x8000004B  }
0x40: {  	s31 =	sshll.u32 s20, $0x8;
	s29 =	sshll.u32 s21, $0xF;
	s25 =	rddreg [dreg:$0x5]  }
0x41: {  	s31 =	sand.u32 $0x100, s31;
	s22 =	sor.u32 $0x200, s29;
	s26 =	rddreg [dreg:$0x4]  }
0x42: {  	[tilespmem:s22], [sflag:$0x5] =	stream.indirect.gather [hbm4b:s26+s25], $0x80, s31, s25, $0x2000b8;
	[tilespmem:$0x10200] =	vst v63  }
0x43: {  	_ =	swait.ge [sflag:s6], $0x8000  }
0x44: {  	[sflag:s6] =	ssyncset.done $0x0  }
0x45: {  	[sflag:s6] =	ssyncadd.s32 $0xFFFF8000  }
0x46: {  	s30 =	sadd.s32 $0x1, s17;
	_ =	strace $0x9000004B  }
0x47: {  	s24 =	sadd.s32 s4, s13;
	s13 =	smov.u32 s17;
	s31 =	sld [smem:$0x7FD]  }
0x48: {  	p0 =	sne.s32 s23, $0x0;
	s17 =	smov.u32 s30;
	p1 =	seq.s32 s30, s5  }
0x49: {  	s17 =	simm.s32 @p1 $0x0;
	p1 =	seq.s32 s8, s23;
	s23 =	simm.s32 $0x1  }
0x4a: {  	s23 =	simm.s32 @!p0 $0x0;
	p0 =	seq.s32 s31, $0x1  }
.Ltmp2:
0x4b: {  	s30 =	sld [smem:$0x7FC];
	(pc) =	sbr.rel @p0 .LBB2_5-.Ltmp2, $4  }
0x4c: {  	p3 =	seq.s32 s12, $0x0  }
0x4d: {  	p6 =	por p3, p3;
	p5 =	slt.u32 s12, s8  }
0x4e: {  	p2 =	por p4, p4;
	p3 =	sne.s32 s13, s17;
	p4 =	seq.s32 s30, $0x1  }
0x4f: {  	p5 =	por !p5, !p3;
	p1 =	por p1, p4;
	p4 =	por p6, p6  }
0x50: {  	p6 =	por $0x1, $0x1  }
.LBB2_7:
0x51: {  	p0 =	por !p1, !p6  }
0x52: {  	s25 =	simm.s32 $0x1;
	_ =	strace @!p0 $0x8000004C;
	s24 =	sshll.u32 @!p0 s24, $0xC  }
0x53: {  	p2 =	por p2, !p6;
	s19 =	rddreg [dreg:$0x6];
	s24 =	sand.u32 @!p0 $0x1FFFF000, s24  }
0x54: {  	s21 =	sadd.s32 @!p0 $0x3, s21;
	s19 =	sadd.s32 @!p0 s19, s24;
	s24 =	simm.s32 @!p0 $0x0  }
0x55: {  	[hbm4b:s19+s24] =	stream.linear.scatter @!p0 [tilespmem:s22], [sflag:s21], $0x8000, $0x200038;
	[tilespmem:$0x10200] =	vst v63  }
0x56: {  	p1 =	por !p5, !p5;
	s25 =	simm.s32 @p0 $0x0;
	_ =	strace @!p0 $0x9000004C  }
0x57: {  	s16 =	sadd.s32 @!p2 $0x3, s16;
	s17 =	sadd.s32 @p1 s4, s17;
	_ =	strace @!p2 $0x8000004D  }
0x58: {  	s18 =	sand.u32 @p1 $0x1, s18;
	s17 =	sshll.u32 @p1 s17, $0x5;
	_ =	swait.ge @!p2 [sflag:s16], $0x8000  }
0x59: {  	s17 =	sand.u32 @p1 $0x1FFFFFE0, s17;
	s19 =	sadd.s32 @p6 s25, s20;
	[sflag:s16] =	ssyncset.done @!p2 $0x0  }
0x5a: {  	s20 =	simm.s32 $0x0;
	s17 =	sadd.s32 @p1 s2, s17;
	[sflag:s16] =	ssyncadd.s32 @!p2 $0xFFFF8000  }
0x5b: {  	s20 =	smov.u32 @p6 s19;
	s19 =	sshll.u32 @p1 s18, $0x8;
	_ =	strace @!p2 $0x9000004D  }
0x5c: {  	s16 =	sadd.s32 @p1 $0x1, s18;
	s18 =	simm.s32 @p1 $0x0;
	_ =	strace @p1 $0x80000049  }
0x5d: {  	[tilespmem:s19], [sflag:s16] =	stream.linear.gather @p1 [hbm4b:s17+s18], $0x100, $0x200038;
	[tilespmem:$0x10200] =	vst v63  }
0x5e: {  	s26 =	sand.u32 $0x1, s20;
	_ =	strace @p1 $0x90000049  }
0x5f: {  	s16 =	sadd.s32 $0x1, s26;
	_ =	strace $0x8000004A  }
0x60: {  	_ =	swait.ge [sflag:s16], $0x100  }
0x61: {  	[sflag:s16] =	ssyncset.done $0x0  }
0x62: {  	s15 =	sadd.s32 @p6 s25, s15;
	[sflag:s16] =	ssyncadd.s32 $0xFFFFFF00;
	s16 =	simm.s32 $0x0  }
0x63: {  	_ =	strace $0x9000004A;
	s16 =	smov.u32 @p6 s15  }
0x64: {  	_ =	strace $0x8000004B;
	s16 =	sand.u32 $0x1, s16  }
0x65: {  	s30 =	sshll.u32 s20, $0x8;
	s28 =	rddreg [dreg:$0x5];
	s31 =	sshll.u32 s16, $0xF  }
0x66: {  	s18 =	sand.u32 $0x100, s30;
	s29 =	rddreg [dreg:$0x4];
	s19 =	sor.u32 $0x200, s31  }
0x67: {  	[tilespmem:s19], [sflag:$0x5] =	stream.indirect.gather [hbm4b:s29+s28], $0x80, s18, s28, $0x2000b8;
	[tilespmem:$0x10200] =	vst v63  }
0x68: {  	_ =	swait.ge [sflag:s6], $0x8000  }
0x69: {  	p3 =	por p3, p3;
	[sflag:s6] =	ssyncset.done $0x0  }
0x6a: {  	p5 =	seq.s32 s8, s12;
	s13 =	sadd.s32 s4, s13;
	[sflag:s6] =	ssyncadd.s32 $0xFFFF8000  }
0x6b: {  	s14 =	sadd.s32 @p6 s23, s14;
	p1 =	por p5, p3;
	_ =	strace $0x9000004B  }
0x6c: {  	s17 =	simm.s32 $0x0;
	s13 =	sshll.u32 @p1 s13, $0xC;
	_ =	strace @p1 $0x8000004C  }
0x6d: {  	s17 =	smov.u32 @p6 s14;
	s13 =	sand.u32 @p1 $0x1FFFF000, s13;
	s15 =	rddreg [dreg:$0x6]  }
0x6e: {  	s14 =	sadd.s32 @p1 $0x3, s16;
	s13 =	sadd.s32 @p1 s15, s13;
	s15 =	simm.s32 @p1 $0x0  }
0x6f: {  	[hbm4b:s13+s15] =	stream.linear.scatter @p1 [tilespmem:s19], [sflag:s14], $0x8000, $0x200038;
	[tilespmem:$0x10200] =	vst v63  }
0x70: {  	p0 =	por p4, p4;
	s13 =	sand.u32 @!p4 $0x1, s17;
	_ =	strace @p1 $0x9000004C  }
0x71: {  	s13 =	sadd.s32 @!p0 $0x3, s13;
	_ =	strace @!p0 $0x8000004D  }
0x72: {  	p1 =	sne.s32 s12, $0x0;
	s12 =	simm.s32 $0x1;
	_ =	swait.ge @!p0 [sflag:s13], $0x8000  }
0x73: {  	s12 =	simm.s32 @!p1 $0x0;
	[sflag:s13] =	ssyncset.done @!p0 $0x0  }
0x74: {  	s11 =	sadd.s32 $0x1, s11;
	s12 =	sadd.s32 s12, s17;
	[sflag:s13] =	ssyncadd.s32 @!p0 $0xFFFF8000  }
0x75: {  	s12 =	sand.u32 $0x1, s12;
	_ =	strace @!p0 $0x9000004D;
	p0 =	sne.s32 s11, s9  }
.Ltmp3:
0x76: {  	s12 =	sadd.s32 $0x3, s12;
	_ =	strace $0x8000004E;
	(pc) =	sbr.rel @p0 .LBB2_1-.Ltmp3, $4  }
.Ltmp4:
0x77: {  	_ =	swait.ge [sflag:s12], $0x8000;
	(pc) =	sbr.rel @!p0 .LBB2_8-.Ltmp4, $4  }
0x78: {  	[sflag:s12] =	ssyncset.done $0x0  }
0x79: {  	[sflag:s12] =	ssyncadd.s32 $0xFFFF8000  }
0x7a: {  	_ =	strace $0x9000004E  }
0x7b: {  	_ = 	snop  }
.LBB2_2:
.Ltmp5:
0x7c: {  	(pc) =	sbr.rel .LBB2_7-.Ltmp5, $4  }
0x7d: {  	_ = 	snop  }
0x7e: {  	s14 =	simm.s32 $0x0  }
0x7f: {  	s12 =	simm.s32 $0x0;
	s15 =	simm.s32 $0x0;
	s17 =	smov.u32 s13  }
0x80: {  	s20 =	simm.s32 $0x0;
	s18 =	simm.s32 $0x1;
	s13 =	simm.s32 $0x0  }
.LBB2_4:
.Ltmp6:
0x81: {  	(pc) =	sbr.rel .LBB2_7-.Ltmp6, $3  }
0x82: {  	_ =	sdelay $0x1  }
0x83: {  	s14 =	simm.s32 $0x0  }
0x84: {  	s15 =	simm.s32 $0x0;
	s20 =	simm.s32 $0x0;
	p6 =	por $0x1, $0x1  }
.LBB2_8:
0x85: {  	_ =	sfence.sel $0x180000  }
0x86: {  	[bflag:$0x0] =	sbarrier.arrive $0xFFFF  }
0x87: {  	p0 =	sne.s32 s1, $0x0;
	_ =	strace $0x90000047  }
0x88: {  	s0 =	sadd.s32 @!p0 $0x100000, s0;
	[bflag:$0x2] =	sbarrier.arrive $0xFFFF  }
0x89: {  	[sflag:s0] =	ssyncadd.tile.s32 @!p0 $0x1;
	_ =	shalt  }
.Lfunc_end2:
_tile_overlayer_lowered:
.L_overlay_start_2:
0x8a: {  	(tag) =	ssettag $0x2  }
0x8b: {  	s0 =	rddreg [dreg:$0x0];
	s2 =	stileid.u32  }
0x8c: {  	s1 =	rddreg [dreg:$0x1];
	p0 =	sne.s32 s2, $0x0  }
0x8d: {  	s3 =	rddreg [dreg:$0x2];
	[bflag:$0x3] =	sbarrier.arrive $0xFFFF;
	s2 =	simm.s32 @!p0 $0x1C01  }
0x8e: {  	[timem:s3], [sflag:s2] =	dma.local @!p0 [hbm:s0], s1  }
0x8f: {  	s0 =	simm.s32 @!p0 $0x1  }
0x90: {  	_ =	swait.ge @!p0 [sflag:s0], s1  }
0x91: {  	s1 =	ssub.s32 @!p0 $0x0, s1;
	[sflag:s0] =	ssyncset.done @!p0 $0x0  }
0x92: {  	[sflag:s0] =	ssyncadd.s32 @!p0 s1  }
0x93: {  	[bflag:$0x3] =	sbarrier.arrive $0xFFFF  }
0x94: {  	_ =	shalt  }

// kernel: kernel.8.cloned.1.call-start
scs
__scs_entry_jumppad:
0x0: {  	(pc) =	sbr.rel $0x88, $3  }
0x1: {  	(tag) =	ssettag $0x0;
	lr =	simm.s32 $0x1  }
0x2: {  	[smem:$0x3F99] =	sst lr;
	_ =	strace $0xD0000000  }
0x3: {  	_ = 	snop  }
0x4: {  	_ = 	snop  }
0x5: {  	_ = 	snop  }
0x6: {  	_ = 	snop  }
0x7: {  	_ = 	snop  }
__scs_overlays_trampoline_lowered:
0x8: {  	[smem:$0x3FA8] =	sst s0  }
0x9: {  	[smem:$0x3FA9] =	sst s1  }
0xa: {  	[smem:$0x3FAA] =	sst s2  }
0xb: {  	[smem:$0x3FAB] =	sst s3  }
0xc: {  	[smem:$0x3FAC] =	sst s4  }
0xd: {  	[smem:$0x3FAD] =	sst s5  }
0xe: {  	[smem:$0x3FAE] =	sst s6  }
0xf: {  	[smem:$0x3FAF] =	sst s7  }
0x10: {  	[smem:$0x3FB0] =	sst s8  }
0x11: {  	[smem:$0x3FB1] =	sst s9;
	s0 =	simm.s32 @!p0 $0x0  }
0x12: {  	s1 =	sld [smem:$0x3F97];
	s0 =	simm.s32 @p0 $0x1  }
0x13: {  	[smem:$0x3FB2] =	sst s0;
	s0 =	simm.s32 @!p1 $0x0  }
0x14: {  	s2 =	sld [smem:$0x3F96];
	s0 =	simm.s32 @p1 $0x1  }
0x15: {  	[smem:$0x3FB3] =	sst s0;
	s0 =	simm.s32 @!p2 $0x0  }
0x16: {  	s3 =	sld [smem:$0x3FDB];
	s0 =	simm.s32 @p2 $0x1  }
0x17: {  	s4 =	simm.s32 $0x1BF5;
	[smem:$0x3FB5] =	sst s0  }
0x18: {  	s0 =	sld [smem:$0x3F98];
	_ =	swait.ge [sflag:s4], $0x0  }
0x19: {  	s7 =	sld [smem:$0x3F99]  }
0x1a: {  	s8 =	sadd.s32 $0xFFFFE003, lr  }
0x1b: {  	s9 =	sadd.s32 $0xFFFFFEF7, lr;
	s5 =	simm.s32 $0xFFFFFFFF;
	p2 =	slt.u32 s8, $0xFFFFF086  }
0x1c: {  	p1 =	slt.u32 s9, $0xF7A;
	s5 =	simm.s32 @!p2 $0x0  }
0x1d: {  	s5 =	simm.s32 @p1 $0x1;
	p0 =	seq.s32 s7, s2  }
0x1e: {  	s7 =	smul.u32 @!p0 $0xF7A, s2;
	p2 =	seq.s32 @!p0 s5, $0x0  }
0x1f: {  	s9 =	smul.u32 $0xF7A, s1;
	s8 =	simm.s32 @!p0 $0x1BF5;
	p2 =	por !p2, p0  }
0x20: {  	[sflag:s8] =	ssyncset.s32 @!p0 $0xFFFFF086;
	s6 =	sadd.s32 @!p0 s3, s7;
	s7 =	simm.s32 @!p0 $0x108  }
0x21: {  	s3 =	sadd.s32 s3, s9;
	s6 =	sadd.s32 @!p0 $0x88, s6;
	s7 =	simm.s32 @p2 $0x1082  }
0x22: {  	[simem:s7], [sflag:s8] =	dma.local @!p0 [hbm:s6], $0xF7A  }
0x23: {  	s9 =	sor.u32 $0xD0000000, s2;
	s6 =	simm.s32 $0x108;
	_ =	swait.ge @!p0 [sflag:s8], $0x0  }
0x24: {  	s3 =	sadd.s32 $0x88, s3;
	s6 =	simm.s32 @!p1 $0x1082;
	[sflag:s4] =	ssyncset.s32 $0xFFFFF086  }
0x25: {  	[simem:s6], [sflag:s4] =	dma.local [hbm:s3], $0xF7A  }
0x26: {  	[smem:$0x3F99] =	sst s1;
	(tag) =	ssettag s2;
	_ =	strace s9  }
0x27: {  	s1 =	sld [smem:$0x3FA9]  }
0x28: {  	s2 =	sld [smem:$0x3FAA]  }
0x29: {  	s4 =	sld [smem:$0x3FAC]  }
0x2a: {  	p0 =	seq.s32 s5, $0x0;
	s5 =	sld [smem:$0x3FAD]  }
0x2b: {  	s6 =	sld [smem:$0x3FAE]  }
0x2c: {  	s7 =	sld [smem:$0x3FAF]  }
0x2d: {  	s3 =	simm.s32 $0x108;
	s8 =	sld [smem:$0x3FB0]  }
0x2e: {  	s3 =	simm.s32 @!p0 $0x1082;
	s9 =	sld [smem:$0x3FB1]  }
0x2f: {  	lr =	sadd.s32 s0, s3;
	s0 =	sld [smem:$0x3FA8]  }
0x30: {  	s3 =	sld [smem:$0x3FAB]  }
0x31: {  	[smem:$0x3FB4] =	sst s10  }
0x32: {  	s10 =	sld [smem:$0x3FB2];
	_ =	sdelay $0x3  }
0x33: {  	p0 =	seq.s32 s10, $0x1;
	s10 =	sld [smem:$0x3FB4];
	_ =	sdelay $0x3  }
0x34: {  	[smem:$0x3FB4] =	sst s10  }
0x35: {  	s10 =	sld [smem:$0x3FB3];
	_ =	sdelay $0x3  }
0x36: {  	p1 =	seq.s32 s10, $0x1;
	s10 =	sld [smem:$0x3FB4];
	_ =	sdelay $0x3  }
0x37: {  	[smem:$0x3FB4] =	sst s10  }
0x38: {  	s10 =	sld [smem:$0x3FB5]  }
0x39: {  	_ = 	snop;
	(pc) =	sbr.ind lr, $3  }
0x3a: {  	_ = 	snop  }
0x3b: {  	_ = 	snop  }
0x3c: {  	p2 =	seq.s32 s10, $0x1;
	s10 =	sld [smem:$0x3FB4]  }
0x3d: {  	_ =	shalt  }
0x3e: {  	_ =	shalt  }
0x3f: {  	_ =	shalt  }
0x40: {  	_ =	shalt  }
0x41: {  	_ =	shalt  }
0x42: {  	_ =	shalt  }
0x43: {  	_ =	shalt  }
0x44: {  	_ =	shalt  }
0x45: {  	_ =	shalt  }
0x46: {  	_ =	shalt  }
0x47: {  	_ =	shalt  }
0x48: {  	_ =	shalt  }
0x49: {  	_ =	shalt  }
0x4a: {  	_ =	shalt  }
0x4b: {  	_ =	shalt  }
0x4c: {  	_ =	shalt  }
0x4d: {  	_ =	shalt  }
0x4e: {  	_ =	shalt  }
0x4f: {  	_ =	shalt  }
0x50: {  	_ =	shalt  }
0x51: {  	_ =	shalt  }
0x52: {  	_ =	shalt  }
0x53: {  	_ =	shalt  }
0x54: {  	_ =	shalt  }
0x55: {  	_ =	shalt  }
0x56: {  	_ =	shalt  }
0x57: {  	_ =	shalt  }
0x58: {  	_ =	shalt  }
0x59: {  	_ =	shalt  }
0x5a: {  	_ =	shalt  }
0x5b: {  	_ =	shalt  }
0x5c: {  	_ =	shalt  }
0x5d: {  	_ =	shalt  }
0x5e: {  	_ =	shalt  }
0x5f: {  	_ =	shalt  }
0x60: {  	_ =	shalt  }
0x61: {  	_ =	shalt  }
0x62: {  	_ =	shalt  }
0x63: {  	_ =	shalt  }
0x64: {  	_ =	shalt  }
0x65: {  	_ =	shalt  }
0x66: {  	_ =	shalt  }
0x67: {  	_ =	shalt  }
0x68: {  	_ =	shalt  }
0x69: {  	_ =	shalt  }
0x6a: {  	_ =	shalt  }
0x6b: {  	_ =	shalt  }
0x6c: {  	_ =	shalt  }
0x6d: {  	_ =	shalt  }
0x6e: {  	_ =	shalt  }
0x6f: {  	_ =	shalt  }
0x70: {  	_ =	shalt  }
0x71: {  	_ =	shalt  }
0x72: {  	_ =	shalt  }
0x73: {  	_ =	shalt  }
0x74: {  	_ =	shalt  }
0x75: {  	_ =	shalt  }
0x76: {  	_ =	shalt  }
0x77: {  	_ =	shalt  }
0x78: {  	_ =	shalt  }
0x79: {  	_ =	shalt  }
0x7a: {  	_ =	shalt  }
0x7b: {  	_ =	shalt  }
0x7c: {  	_ =	shalt  }
0x7d: {  	_ =	shalt  }
0x7e: {  	_ =	shalt  }
0x7f: {  	_ =	shalt  }
0x80: {  	_ =	shalt  }
0x81: {  	_ =	shalt  }
0x82: {  	_ =	shalt  }
0x83: {  	_ =	shalt  }
0x84: {  	_ =	shalt  }
0x85: {  	_ =	shalt  }
0x86: {  	_ =	shalt  }
0x87: {  	_ =	shalt  }
.Lfunc_end0:
.L_simem_size_0:
called_computation.1_lowered:
.L_overlay_start_0:
0x88: {  	s2 =	sld [smem:$0x3FD9]  }
0x89: {  	s3 =	sld [smem:$0x3FFE];
	_ =	sdelay $0x1  }
0x8a: {  	s1 =	srdreg.scid  }
0x8b: {  	s0 =	sand.u32 $0x1, s1  }
0x8c: {  	s16 =	sshll.u32 s0, $0xA;
	s2 =	sadd.s32 s3, s2  }
0x8d: {  	s2 =	sadd.s32 s2, s16  }
0x8e: {  	[smem:$0x3FC0] =	sst s2  }
0x8f: {  	_ = 	snop  }
0x90: {  	(tm) =	ssettm $0x1  }
0x91: {  	s17 =	sld [smem:$0x3FFB];
	_ =	sdelay $0x3  }
0x92: {  	_ =	strace s17  }
0x93: {  	s2 =	sld [smem:$0x3FFC];
	_ =	sdelay $0x3  }
0x94: {  	_ =	strace s2  }
0x95: {  	s2 =	sld [smem:$0x3FFD];
	_ =	sdelay $0x3  }
0x96: {  	_ =	strace s2  }
0x97: {  	_ =	strace $0x8FFFFFFF  }
0x98: {  	s18 =	sld [smem:$0x3FDB];
	_ =	sdelay $0x1  }
0x99: {  	s19 =	simm.s32 $_scs_section_size  }
0x9a: {  	s4 =	simm.s32 $_size__tile_overlayer_lowered;
	s5 =	simm.s32 $_tile_overlayer_lowered  }
0x9b: {  	s22 =	simm.s32 $0x1BFF;
	s21 =	sshll.u32 s5, $0x1;
	s2 =	sadd.s32 s19, s18  }
0x9c: {  	s6 =	simm.s32 $0x0;
	s20 =	sshll.u32 s4, $0x1;
	s4 =	sadd.s32 s21, s2  }
0x9d: {  	[timem:s6], [sflag:s22] =	dma.local [hbm:s4], s20  }
0x9e: {  	_ =	swait.ge [sflag:s22], s20  }
0x9f: {  	s3 =	ssub.s32 $0x0, s20;
	[sflag:s22] =	ssyncset.done $0x0  }
0xa0: {  	[sflag:s22] =	ssyncadd.s32 s3;
	_ =	sdelay $0x1  }
0xa1: {  	s23 =	simm.s32 $0x1B8B  }
0xa2: {  	_ =	swait.ge [sflag:s23], $0x1  }
0xa3: {  	[sflag:s23] =	ssyncset.done $0x0  }
0xa4: {  	s25 =	simm.s32 $0x1B8E;
	s24 =	sld [smem:$0x3FFE];
	[sflag:s23] =	ssyncadd.s32 $0xFFFFFFFF  }
0xa5: {  	s26 =	simm.s32 $execute0_lowered;
	[smem:$0x3FD2] =	sst s25  }
0xa6: {  	s4 =	sshll.u32 s26, $0x1;
	_ =	strace $0x80000050;
	[dreg:$0x1] =	wrdreg $0xFFFFFFFF  }
0xa7: {  	s28 =	simm.s32 $_size_execute0_lowered;
	s2 =	sadd.s32 s2, s4;
	[dreg:$0x0] =	wrdreg $0x0  }
0xa8: {  	s4 =	sshll.u32 s28, $0x1;
	[dreg:$0x2] =	wrdreg s2  }
0xa9: {  	[dreg:$0x3] =	wrdreg s4  }
0xaa: {  	[dreg:$0x4] =	wrdreg $0xC0  }
0xab: {  	_ =	task [dreg:s6], $0x5FFFF  }
0xac: {  	[dreg:$0x1] =	wrdreg $0xFFFFFFFF  }
0xad: {  	[dreg:$0x0] =	wrdreg $0x60  }
0xae: {  	[dreg:$0x2] =	wrdreg s24  }
0xaf: {  	[dreg:$0x3] =	wrdreg $0x9  }
0xb0: {  	_ =	task.clear_ibuf [dreg:s6], $0x4FFFF;
	_ =	strace $0x90000050  }
0xb1: {  	s29 =	simm.s32 $0x9;
	_ =	strace $0x80000058  }
0xb2: {  	_ =	swait.ge [sflag:s29], $0x1  }
0xb3: {  	[sflag:s29] =	ssyncadd.s32 $0xFFFFFFFF  }
0xb4: {  	_ =	strace $0x90000058  }
0xb5: {  	_ =	sfence  }
0xb6: {  	s30 =	sld [smem:$0x0];
	_ =	sdelay $0x2  }
0xb7: {  	s31 =	sshll.u32 s1, $0xD;
	s1 =	sshrl.u32 s1, $0x2  }
0xb8: {  	s3 =	sand.u32 $0x4000, s31;
	s1 =	sadd.s32 s1, s30  }
0xb9: {  	s0 =	sor.u32 s3, s0;
	s1 =	sshll.u32 s1, $0x11  }
0xba: {  	s0 =	sor.u32 s1, s0  }
0xbb: {  	s0 =	sadd.s32 $0x8F2B, s0  }
0xbc: {  	[sflag:s0] =	ssyncadd.remote.s32 $0x1  }
0xbd: {  	_ =	sfence.sel $0xFFFF  }
0xbe: {  	[dreg:$0x0] =	wrdreg $0xFFFFFFFF;
	(pc) =	sbr.abs _section_cstart, $3  }
0xbf: {  	[dreg:$0x1] =	wrdreg $0xFFFFFFFF  }
0xc0: {  	_ =	task.clear_ibuf [dreg:s6], $0x2FFFF;
	_ =	strace $0x9FFFFFFF  }
0xc1: {  	(tm) =	ssettm $0x7FFFFFFF  }
tec
execute0_lowered:
.L_overlay_start_1:
0x0: {  	(tag) =	ssettag $0x1  }
0x1: {  	s1 =	rddreg [dreg:$0x0];
	s2 =	srdreg.scid  }
0x2: {  	s0 =	rddreg [dreg:$0x1];
	s3 =	simm.s32 $0x0;
	s13 =	simm.s32 $0x100  }
0x3: {  	s14 =	simm.s32 $0x0;
	s5 =	sand.u32 $0x1, s2;
	[smem:$0x7FF] =	sst s3  }
0x4: {  	s2 =	stileid.u32;
	s4 =	sadd.s32 $0x1200, s1;
	s6 =	sshll.u32 s5, $0x4  }
0x5: {  	_ =	strace $0x80000051;
	s7 =	ssub.s32 $0x2, s5;
	s6 =	sor.u32 s2, s6  }
0x6: {  	s9 =	sshrl.u32 s7, $0x1;
	s8 =	smul.u32 $0x5, s6;
	s30 =	sshll.u32 s6, $0x2  }
0x7: {  	p0 =	slt.u32 s6, $0x8;
	s6 =	sadd.s32 $0x89200, s1;
	s5 =	sadd.s32 $0x8, s30  }
0x8: {  	s11 =	ssub.s32 s7, s9;
	s7 =	simm.s32 $0x5;
	s5 =	smov.u32 @p0 s8  }
0x9: {  	s11 =	smax.u32 s11, $0x1;
	s8 =	simm.s32 $0x5;
	s31 =	sshll.u32 s5, $0xC  }
0xa: {  	s8 =	simm.s32 @!p0 $0x4;
	s10 =	sshll.u32 s5, $0x5;
	s9 =	sand.u32 $0x1FFFF000, s31  }
0xb: {  	s10 =	sand.u32 $0x1FFFFFE0, s10;
	s12 =	sadd.s32 $0xFFFFFFFF, s8;
	s9 =	sadd.s32 s4, s9  }
0xc: {  	s10 =	sadd.s32 s1, s10;
	[dreg:$0x2] =	wrdreg s12;
	s12 =	simm.s32 $0x10000  }
.LBB2_1:
0xd: {  	_ =	strace $0x80000052;
	s17 =	simm.s32 $0x0  }
0xe: {  	[tilespmem:s3], [sflag:$0x1] =	stream.linear.gather [hbm4b:s9+s3], $0x8000, $0x200038;
	[tilespmem:$0x10200] =	vst v63  }
0xf: {  	s15 =	simm.s32 $0x0;
	s18 =	simm.s32 $0x1;
	s16 =	simm.s32 $0x0  }
0x10: {  	[tilespmem:s12], [sflag:$0x3] =	stream.linear.gather [hbm4b:s10+s3], $0x100, $0x200038;
	[tilespmem:$0x10200] =	vst v63  }
0x11: {  	s20 =	simm.s32 $0x1;
	s19 =	simm.s32 $0x0;
	_ =	strace $0x90000052  }
.LBB2_2:
0x12: {  	s21 =	smov.u32 s17;
	s17 =	sadd.s32 $0x1, s17  }
0x13: {  	p0 =	seq.s32 s17, s8  }
0x14: {  	s17 =	simm.s32 @p0 $0x0  }
0x15: {  	p0 =	seq.s32 s21, s17  }
0x16: {  	s22 =	smov.u32 s20;
	s20 =	sadd.s32 @!p0 s5, s17  }
0x17: {  	s23 =	sand.u32 @!p0 $0x1, s22;
	_ =	strace @!p0 $0x80000053;
	s24 =	sshll.u32 @!p0 s20, $0xC  }
0x18: {  	s26 =	simm.s32 @!p0 $0x0;
	s25 =	sshll.u32 @!p0 s23, $0xF;
	s24 =	sand.u32 @!p0 $0x1FFFF000, s24  }
0x19: {  	s23 =	sadd.s32 @!p0 $0x1, s23;
	s20 =	sshll.u32 @!p0 s20, $0x5;
	s24 =	sadd.s32 @!p0 s4, s24  }
0x1a: {  	[tilespmem:s25], [sflag:s23] =	stream.linear.gather @!p0 [hbm4b:s24+s26], $0x8000, $0x200038;
	[tilespmem:$0x10200] =	vst v63  }
0x1b: {  	s20 =	sand.u32 @!p0 $0x1FFFFFE0, s20;
	s23 =	sand.u32 @!p0 $0x1, s18  }
0x1c: {  	s20 =	sadd.s32 @!p0 s1, s20;
	_ =	strace @!p0 $0x90000053;
	s24 =	sshll.u32 @!p0 s23, $0x8  }
0x1d: {  	s23 =	sadd.s32 @!p0 $0x3, s23;
	_ =	strace @!p0 $0x80000054;
	s24 =	sor.u32 @!p0 $0x10000, s24  }
0x1e: {  	[tilespmem:s24], [sflag:s23] =	stream.linear.gather @!p0 [hbm4b:s20+s26], $0x100, $0x200038;
	[tilespmem:$0x10200] =	vst v63  }
0x1f: {  	s26 =	sand.u32 $0x1, s16;
	_ =	strace @!p0 $0x90000054  }
0x20: {  	s20 =	sadd.s32 $0x1, s26;
	_ =	strace $0x80000055  }
0x21: {  	_ =	swait.ge [sflag:s20], $0x8000  }
0x22: {  	[sflag:s20] =	ssyncset.done $0x0  }
0x23: {  	[sflag:s20] =	ssyncadd.s32 $0xFFFF8000  }
0x24: {  	s28 =	sand.u32 $0x1, s15;
	_ =	strace $0x90000055  }
0x25: {  	s20 =	sadd.s32 $0x3, s28;
	_ =	strace $0x80000056  }
0x26: {  	_ =	swait.ge [sflag:s20], $0x100  }
0x27: {  	[sflag:s20] =	ssyncset.done $0x0  }
0x28: {  	s29 =	sshll.u32 s15, $0x8;
	[sflag:s20] =	ssyncadd.s32 $0xFFFFFF00  }
0x29: {  	s30 =	sshll.u32 s16, $0xF;
	s20 =	sand.u32 $0x100, s29;
	_ =	strace $0x90000056  }
0x2a: {  	s23 =	sand.u32 $0x8000, s30;
	s20 =	sor.u32 $0x10000, s20;
	_ =	strace $0x80000057  }
0x2b: {  	[hbm4b:s6+s13] =	stream.indirect.scatter [tilespmem:s23], [sflag:$0x5], $0x80, s20, s13, $0x2000b8;
	[tilespmem:$0x10200] =	vst v63  }
0x2c: {  	_ =	swait.ge [sflag:s7], $0x8000  }
0x2d: {  	[sflag:s7] =	ssyncset.done $0x0  }
0x2e: {  	[sflag:s7] =	ssyncadd.s32 $0xFFFF8000  }
0x2f: {  	s19 =	sadd.s32 $0x1, s19;
	_ =	strace $0x90000057  }
0x30: {  	s24 =	simm.s32 @!p0 $0x1;
	s20 =	sadd.s32 @!p0 $0x1, s22;
	s31 =	rddreg [dreg:$0x2]  }
0x31: {  	s24 =	simm.s32 @p0 $0x0;
	s20 =	smov.u32 @p0 s22;
	p0 =	sne.s32 s31, s19  }
.Ltmp0:
0x32: {  	_ = 	snop;
	(pc) =	sbr.rel @p0 .LBB2_2-.Ltmp0, $4  }
0x33: {  	_ = 	snop  }
0x34: {  	p1 =	sne.s32 s21, s17;
	s21 =	simm.s32 $0x1  }
0x35: {  	s21 =	simm.s32 @!p1 $0x0  }
0x36: {  	s15 =	sadd.s32 s21, s15;
	s16 =	sadd.s32 s21, s16;
	s18 =	sadd.s32 s18, s24  }
0x37: {  	s17 =	sand.u32 $0x1, s16  }
0x38: {  	_ =	strace $0x80000055;
	s17 =	sadd.s32 $0x1, s17  }
0x39: {  	_ =	swait.ge [sflag:s17], $0x8000  }
0x3a: {  	[sflag:s17] =	ssyncset.done $0x0  }
0x3b: {  	[sflag:s17] =	ssyncadd.s32 $0xFFFF8000  }
0x3c: {  	s29 =	sand.u32 $0x1, s15;
	_ =	strace $0x90000055  }
0x3d: {  	s17 =	sadd.s32 $0x3, s29;
	_ =	strace $0x80000056  }
0x3e: {  	_ =	swait.ge [sflag:s17], $0x100  }
0x3f: {  	s30 =	sshll.u32 s15, $0x8;
	[sflag:s17] =	ssyncset.done $0x0  }
0x40: {  	s31 =	sshll.u32 s16, $0xF;
	s14 =	sadd.s32 $0x1, s14;
	[sflag:s17] =	ssyncadd.s32 $0xFFFFFF00  }
0x41: {  	s15 =	sand.u32 $0x100, s30;
	s16 =	sand.u32 $0x8000, s31;
	_ =	strace $0x90000056  }
0x42: {  	p0 =	sne.s32 s14, s11;
	s15 =	sor.u32 $0x10000, s15;
	_ =	strace $0x80000057  }
0x43: {  	[hbm4b:s6+s13] =	stream.indirect.scatter [tilespmem:s16], [sflag:$0x5], $0x80, s15, s13, $0x2000b8;
	[tilespmem:$0x10200] =	vst v63  }
.Ltmp1:
0x44: {  	_ = 	snop;
	(pc) =	sbr.rel @p0 .LBB2_1-.Ltmp1, $4  }
0x45: {  	_ =	swait.ge [sflag:s7], $0x8000  }
0x46: {  	[sflag:s7] =	ssyncset.done $0x0  }
0x47: {  	[sflag:s7] =	ssyncadd.s32 $0xFFFF8000  }
0x48: {  	_ =	strace $0x90000057  }
0x49: {  	_ =	sfence.sel $0x180000  }
0x4a: {  	[bflag:$0x0] =	sbarrier.arrive $0xFFFF  }
0x4b: {  	p0 =	sne.s32 s2, $0x0;
	_ =	strace $0x90000051  }
0x4c: {  	s0 =	sadd.s32 @!p0 $0x100000, s0;
	[bflag:$0x2] =	sbarrier.arrive $0xFFFF  }
0x4d: {  	[sflag:s0] =	ssyncadd.tile.s32 @!p0 $0x1;
	_ =	shalt  }
.Lfunc_end2:
_tile_overlayer_lowered:
.L_overlay_start_2:
0x4e: {  	(tag) =	ssettag $0x2  }
0x4f: {  	s0 =	rddreg [dreg:$0x0];
	s2 =	stileid.u32  }
0x50: {  	s1 =	rddreg [dreg:$0x1];
	p0 =	sne.s32 s2, $0x0  }
0x51: {  	s3 =	rddreg [dreg:$0x2];
	[bflag:$0x3] =	sbarrier.arrive $0xFFFF;
	s2 =	simm.s32 @!p0 $0x1C01  }
0x52: {  	[timem:s3], [sflag:s2] =	dma.local @!p0 [hbm:s0], s1  }
0x53: {  	s0 =	simm.s32 @!p0 $0x1  }
0x54: {  	_ =	swait.ge @!p0 [sflag:s0], s1  }
0x55: {  	s1 =	ssub.s32 @!p0 $0x0, s1;
	[sflag:s0] =	ssyncset.done @!p0 $0x0  }
0x56: {  	[sflag:s0] =	ssyncadd.s32 @!p0 s1  }
0x57: {  	[bflag:$0x3] =	sbarrier.arrive $0xFFFF  }
0x58: {  	_ =	shalt  }

</sc_bundles>
